<compile_context>
chip_gen: v7x
topology: tpu7x:2x2x1
jax: 0.10.2.dev20260603
libtpu: 0.0.44.dev20260713+nightly
codegen_flags: <defaults>
</compile_context>

<pallas_src>
import functools

import jax
import jax.numpy as jnp
from jax import lax
from jax.experimental import pallas as pl
from jax.experimental.pallas import tpu as pltpu
from jax.experimental.pallas import tpu_sc as plsc

N_ENT = 10000
D = 128
EXT = 144
E = 320000
B = 4096
R2 = 200

_info = plsc.get_sparse_core_info()
NC = _info.num_cores
NS = _info.num_subcores
NW = NC * NS
EPW = E // NW
CHUNK = 100
NJ = EPW // CHUNK
JBLK = 10
NBLK = NJ // JBLK
N_PAD = 10240
RPT = N_PAD // NS

_mesh = plsc.VectorSubcoreMesh(core_axis_name="c", subcore_axis_name="s")


@functools.partial(
    pl.kernel,
    mesh=_mesh,
    compiler_params=pltpu.CompilerParams(use_tc_tiling_on_sc=False),
    out_type=jax.ShapeDtypeStruct((NC, N_PAD, EXT), jnp.float32),
    scratch_types=[
        pltpu.VMEM((2, JBLK, 3, CHUNK), jnp.int32),
        pltpu.VMEM((CHUNK, EXT), jnp.float32),
        pltpu.VMEM((CHUNK, EXT), jnp.float32),
        pltpu.VMEM_SHARED((N_PAD, EXT), jnp.float32),
        pltpu.VMEM_SHARED((R2, EXT), jnp.float32),
        pltpu.SemaphoreType.DMA,
        pltpu.SemaphoreType.DMA,
        pltpu.SemaphoreType.DMA,
        pltpu.SemaphoreType.DMA,
        pltpu.SemaphoreType.DMA,
        pltpu.SemaphoreType.DMA,
    ],
)
def _sc_aggregate(embed_ext_hbm, negrel_ext_hbm, idx_hbm, zeros_hbm, out_hbm,
                  idx_v, buf0, buf1, acc, negrel_sp,
                  sga0, sga1, sgb0, sgb1, ssc0, ssc1):
    cid = lax.axis_index("c")
    sid = lax.axis_index("s")
    wid = cid * NS + sid
    bufs = (buf0, buf1)
    sgas = (sga0, sga1)
    sgbs = (sgb0, sgb1)
    sscs = (ssc0, ssc1)
    pltpu.sync_copy(zeros_hbm, acc.at[pl.ds(sid * RPT, RPT)])

    @pl.when(sid == 0)
    def _stage_rel():
        pltpu.sync_copy(negrel_ext_hbm, negrel_sp)

    plsc.subcore_barrier()

    def block(t, carry):
        tb = lax.rem(t, 2)
        pltpu.sync_copy(idx_hbm.at[wid, pl.ds(t * JBLK, JBLK)], idx_v.at[tb])

        def pair(p, c2):
            nonfirst = jnp.logical_or(t > 0, p > 0)
            for s in range(2):
                j = 2 * p + s

                @pl.when(nonfirst)
                def _drain(s=s, j=j):
                    pltpu.make_async_copy(
                        bufs[s], acc.at[idx_v.at[tb, j, 1]], sscs[s]).wait()

                pltpu.async_copy(embed_ext_hbm.at[idx_v.at[tb, j, 0]],
                                 bufs[s], sgas[s])
            for s in range(2):
                j = 2 * p + s
                pltpu.make_async_copy(embed_ext_hbm.at[idx_v.at[tb, j, 0]],
                                      bufs[s], sgas[s]).wait()
                pltpu.async_copy(negrel_sp.at[idx_v.at[tb, j, 2]],
                                 bufs[s], sgbs[s], add=True)
            for s in range(2):
                j = 2 * p + s
                pltpu.make_async_copy(negrel_sp.at[idx_v.at[tb, j, 2]],
                                      bufs[s], sgbs[s]).wait()
                pltpu.async_copy(bufs[s], acc.at[idx_v.at[tb, j, 1]],
                                 sscs[s], add=True)
            return c2

        lax.fori_loop(0, JBLK // 2, pair, 0)
        return carry

    lax.fori_loop(0, NBLK, block, 0)
    for s in range(2):
        pltpu.make_async_copy(bufs[s], acc.at[idx_v.at[0, 0, 1]],
                              sscs[s]).wait()
    plsc.subcore_barrier()
    pltpu.sync_copy(acc.at[pl.ds(sid * RPT, RPT)],
                    out_hbm.at[cid, pl.ds(sid * RPT, RPT)])


BPW = B // NW


@functools.partial(
    pl.kernel,
    mesh=_mesh,
    compiler_params=pltpu.CompilerParams(use_tc_tiling_on_sc=False),
    out_type=(jax.ShapeDtypeStruct((B, D), jnp.float32),
              jax.ShapeDtypeStruct((B, D), jnp.float32)),
    scratch_types=[
        pltpu.VMEM((BPW,), jnp.int32),
        pltpu.VMEM((BPW,), jnp.int32),
        pltpu.VMEM((BPW, D), jnp.float32),
        pltpu.VMEM((BPW, D), jnp.float32),
        pltpu.SemaphoreType.DMA,
        pltpu.SemaphoreType.DMA,
    ],
)
def _sc_lookup(x_hbm, r_hbm, sub_hbm, rel_hbm, sub_out, rel_out,
               sub_v, rel_v, buf_x, buf_r, sem_x, sem_r):
    wid = lax.axis_index("c") * NS + lax.axis_index("s")
    base = wid * BPW
    pltpu.sync_copy(sub_hbm.at[pl.ds(base, BPW)], sub_v)
    pltpu.sync_copy(rel_hbm.at[pl.ds(base, BPW)], rel_v)
    cp_x = pltpu.async_copy(x_hbm.at[sub_v], buf_x, sem_x)
    cp_r = pltpu.async_copy(r_hbm.at[rel_v], buf_r, sem_r)
    cp_x.wait()
    cp_r.wait()
    pltpu.sync_copy(buf_x, sub_out.at[pl.ds(base, BPW)])
    pltpu.sync_copy(buf_r, rel_out.at[pl.ds(base, BPW)])


def _tc_dense(acc_ref, embed_ref, w_ref, wl_ref, b_ref, rel_ref, wr_ref,
              x_ref, r_ref):
    pre = acc_ref[0, :N_ENT, :D] + acc_ref[1, :N_ENT, :D]
    deg = acc_ref[0, :N_ENT, D:D + 1] + acc_ref[1, :N_ENT, D:D + 1]
    norm = 1.0 / jnp.maximum(deg, 1.0)
    agg = jnp.dot(pre, w_ref[...], preferred_element_type=jnp.float32) * norm
    loop = jnp.dot(embed_ref[...], wl_ref[...], preferred_element_type=jnp.float32)
    x_ref[...] = jnp.tanh(agg + loop + b_ref[...])
    r_ref[...] = jnp.dot(rel_ref[...], wr_ref[...], preferred_element_type=jnp.float32)


_tc_dense_call = pl.pallas_call(
    _tc_dense,
    out_shape=(jax.ShapeDtypeStruct((N_ENT, D), jnp.float32),
               jax.ShapeDtypeStruct((R2, D), jnp.float32)),
)


def kernel(init_embed, init_rel, W, W_loop, W_rel, b, edge_index, edge_type,
           sub, rel):
    f32 = jnp.float32
    eidx = edge_index.astype(jnp.int32).reshape(2, NW, NJ, CHUNK)
    typ = edge_type.astype(jnp.int32).reshape(NW, NJ, CHUNK)
    idx_packed = jnp.stack([eidx[0], eidx[1], typ], axis=2)
    embed_ext = jnp.concatenate(
        [init_embed.astype(f32),
         jnp.ones((N_ENT, 1), f32),
         jnp.zeros((N_ENT, EXT - D - 1), f32)], axis=1)
    negrel_ext = jnp.concatenate(
        [-init_rel.astype(f32), jnp.zeros((R2, EXT - D), f32)], axis=1)
    zeros_blk = jnp.zeros((RPT, EXT), f32)

    acc2 = _sc_aggregate(embed_ext, negrel_ext, idx_packed, zeros_blk)
    x, r = _tc_dense_call(acc2, init_embed, W, W_loop,
                          b.reshape(1, D), init_rel, W_rel)
    sub_emb, rel_emb = _sc_lookup(x, r, sub.astype(jnp.int32),
                                  rel.astype(jnp.int32))
    return (sub_emb, rel_emb, x)

# --- scband reference (transcript-rebuilt; emitter-appended) ---
"""Pipeline reference for scband-gpkg-embedd-76562087018581 (READ-ONLY COPY).

The authoritative reference and input builder live on the scoring server;
editing this copy changes nothing except your own understanding.
"""

import jax, jax.numpy as jnp
import numpy as np

N_ENT = 10000
N_REL = 100
D = 128
E = 320000
B = 4096


def setup_inputs(seed: int = 0) -> dict:
    key = jax.random.key(seed)
    ks = jax.random.split(key, 10)
    # learned parameters (sized per init_kwargs / params)
    init_embed = jax.random.normal(ks[0], (N_ENT, D), dtype=jnp.float32) * 0.05
    init_rel = jax.random.normal(ks[1], (2 * N_REL, D), dtype=jnp.float32) * 0.05
    W = jax.random.normal(ks[2], (D, D), dtype=jnp.float32) * 0.05
    W_loop = jax.random.normal(ks[3], (D, D), dtype=jnp.float32) * 0.05
    W_rel = jax.random.normal(ks[4], (D, D), dtype=jnp.float32) * 0.05
    b = jnp.zeros((D,), dtype=jnp.float32)
    # graph structure (constructor tensors in the torch module)
    edge_index = jax.random.randint(ks[5], (2, E), 0, N_ENT, dtype=jnp.int64)
    edge_type = jax.random.randint(ks[6], (E,), 0, 2 * N_REL, dtype=jnp.int64)
    # forward args
    sub = jax.random.randint(ks[7], (B,), 0, N_ENT, dtype=jnp.int64)
    rel = jax.random.randint(ks[8], (B,), 0, 2 * N_REL, dtype=jnp.int64)
    return {
        'init_embed': init_embed,
        'init_rel': init_rel,
        'W': W,
        'W_loop': W_loop,
        'W_rel': W_rel,
        'b': b,
        'edge_index': edge_index,
        'edge_type': edge_type,
        'sub': sub,
        'rel': rel,
    }


def reference(init_embed, init_rel, W, W_loop, W_rel, b, edge_index, edge_type, sub, rel):
    # GPKGConv (CompGCN-style composition conv), gcn_layer=1, op='sub', eval mode (dropout = identity)
    src = edge_index[0]
    dst = edge_index[1]
    # composition: phi(h_src, h_rel) = h_src - h_rel
    msg = jnp.take(init_embed, src, axis=0) - jnp.take(init_rel, edge_type, axis=0)
    msg = msg @ W
    # degree normalization on destination nodes
    deg = jax.ops.segment_sum(jnp.ones((E,), dtype=jnp.float32), dst, num_segments=N_ENT)
    norm = 1.0 / jnp.clip(deg, 1.0, None)
    agg = jax.ops.segment_sum(msg, dst, num_segments=N_ENT) * norm[:, None]
    # self-loop transform
    loop = init_embed @ W_loop
    x = jnp.tanh(agg + loop + b)
    # relation embedding transform
    r = init_rel @ W_rel
    sub_emb = jnp.take(x, sub, axis=0)
    rel_emb = jnp.take(r, rel, axis=0)
    return (sub_emb, rel_emb, x)

if __name__ == "__main__":
    import jax
    _d = setup_inputs()
    print(jax.jit(kernel)(*tuple(_d.values())))

</pallas_src>

<mosaic_0001>
#map = affine_map<(d0, d1) -> (0, 0)>
#map1 = affine_map<(d0, d1) -> (0, 0, 0, 0)>
#map2 = affine_map<(d0, d1) -> (0, 0, 0)>
module attributes {stable_mosaic.version = 14 : i64} {
  func.func @_sc_aggregate(%arg0: i32, %arg1: i32, %arg2: memref<10000x144xf32, #tpu.memory_space<hbm>>, %arg3: memref<200x144xf32, #tpu.memory_space<hbm>>, %arg4: memref<32x100x3x100xi32, #tpu.memory_space<hbm>>, %arg5: memref<640x144xf32, #tpu.memory_space<hbm>>, %arg6: memref<2x10240x144xf32, #tpu.memory_space<hbm>>, %arg7: memref<2x10x3x100xi32, #tpu.memory_space<vmem>>, %arg8: memref<100x144xf32, #tpu.memory_space<vmem>>, %arg9: memref<100x144xf32, #tpu.memory_space<vmem>>, %arg10: memref<10240x144xf32, #tpu.memory_space<vmem_shared>>, %arg11: memref<200x144xf32, #tpu.memory_space<vmem_shared>>, %arg12: memref<!tpu.dma_semaphore, #tpu.memory_space<semaphore_mem>>, %arg13: memref<!tpu.dma_semaphore, #tpu.memory_space<semaphore_mem>>, %arg14: memref<!tpu.dma_semaphore, #tpu.memory_space<semaphore_mem>>, %arg15: memref<!tpu.dma_semaphore, #tpu.memory_space<semaphore_mem>>, %arg16: memref<!tpu.dma_semaphore, #tpu.memory_space<semaphore_mem>>, %arg17: memref<!tpu.dma_semaphore, #tpu.memory_space<semaphore_mem>>) attributes {dimension_semantics = [#tpu.dimension_semantics<core_parallel>, #tpu.dimension_semantics<subcore_parallel>], iteration_bounds = array<i64: 2, 16>, scalar_prefetch = 0 : i64, scratch_operands = 11 : i64, tpu.core_type = #tpu.core_type<sc_vector_subcore>, window_params = [{transform_indices = #map}, {transform_indices = #map}, {transform_indices = #map1}, {transform_indices = #map}, {transform_indices = #map2}]} {
    %mul3A = arith.constant 16 : i32
    %mul3A_0 = arith.muli %arg0, %mul3A : i32
    %add3A = arith.addi %mul3A_0, %arg1 : i32
    %mul3A_1 = arith.constant 640 : i32
    %mul3A_2 = arith.muli %arg1, %mul3A_1 : i32
    "tpu.region"() ({
      %run_scoped3A = tpu.sem_alloc : memref<!tpu.dma_semaphore, #tpu.memory_space<semaphore_mem>>
      %dma_start3A = arith.constant 0 : i32
      %dma_start3A_32 = tpu.memref_slice %arg10[%mul3A_2, %dma_start3A] : memref<10240x144xf32, #tpu.memory_space<vmem_shared>> -> memref<640x144xf32, #tpu.memory_space<vmem_shared>>
      tpu.enqueue_dma source(%arg5 : memref<640x144xf32, #tpu.memory_space<hbm>>) target(%dma_start3A_32 : memref<640x144xf32, #tpu.memory_space<vmem_shared>>) target_semaphore(%run_scoped3A : memref<!tpu.dma_semaphore, #tpu.memory_space<semaphore_mem>>)
      %dma_wait3A_33 = arith.constant 0 : i32
      %dma_wait3A_34 = tpu.memref_slice %arg10[%mul3A_2, %dma_wait3A_33] : memref<10240x144xf32, #tpu.memory_space<vmem_shared>> -> memref<640x144xf32, #tpu.memory_space<vmem_shared>>
      tpu.wait_dma2 semaphore(%run_scoped3A : memref<!tpu.dma_semaphore, #tpu.memory_space<semaphore_mem>>) src(%arg5 : memref<640x144xf32, #tpu.memory_space<hbm>>) dst(%dma_wait3A_34 : memref<640x144xf32, #tpu.memory_space<vmem_shared>>)
      tpu.yield
    }) : () -> ()
    %eq3A = arith.constant 0 : i32
    %eq3A_3 = arith.cmpi eq, %arg1, %eq3A : i32
    %convert_element_type3A = arith.extui %eq3A_3 : i1 to i32
    %cond3A = arith.constant 0 : i32
    %cond3A_4 = arith.cmpi ne, %convert_element_type3A, %cond3A : i32
    scf.if %cond3A_4 {
      "tpu.region"() ({
        %run_scoped3A = tpu.sem_alloc : memref<!tpu.dma_semaphore, #tpu.memory_space<semaphore_mem>>
        tpu.enqueue_dma source(%arg3 : memref<200x144xf32, #tpu.memory_space<hbm>>) target(%arg11 : memref<200x144xf32, #tpu.memory_space<vmem_shared>>) target_semaphore(%run_scoped3A : memref<!tpu.dma_semaphore, #tpu.memory_space<semaphore_mem>>)
        tpu.wait_dma2 semaphore(%run_scoped3A : memref<!tpu.dma_semaphore, #tpu.memory_space<semaphore_mem>>) src(%arg3 : memref<200x144xf32, #tpu.memory_space<hbm>>) dst(%arg11 : memref<200x144xf32, #tpu.memory_space<vmem_shared>>)
        tpu.yield
      }) : () -> ()
    } else {
    }
    %barrier3A = arith.constant 0 : index
    tpu.barrier barrier_id(%barrier3A)
    %scan3A = arith.constant 0 : i32
    %scan3A_5 = arith.constant 0 : i32
    %scan3A_6 = arith.constant 10 : i32
    %scan3A_7 = arith.addi %scan3A_5, %scan3A_6 : i32
    %scan3A_8 = arith.constant 1 : i32
    scf.for %scan3A_32 = %scan3A_5 to %scan3A_7 step %scan3A_8  : i32 {
      %rem3A = arith.constant 2 : i32
      %rem3A_33 = arith.remsi %scan3A_32, %rem3A : i32
      %mul3A_34 = arith.constant 10 : i32
      %mul3A_35 = arith.muli %scan3A_32, %mul3A_34 : i32
      "tpu.region"() ({
        %run_scoped3A = tpu.sem_alloc : memref<!tpu.dma_semaphore, #tpu.memory_space<semaphore_mem>>
        %dma_start3A = arith.constant 0 : i32
        %dma_start3A_42 = arith.constant 0 : i32
        %dma_start3A_43 = arith.constant 0 : i32
        %dma_start3A_44 = tpu.memref_slice %arg7[%rem3A_33, %dma_start3A, %dma_start3A_42, %dma_start3A_43] : memref<2x10x3x100xi32, #tpu.memory_space<vmem>> -> memref<1x10x3x100xi32, #tpu.memory_space<vmem>>
        %dma_start3A_45 = tpu.memref_squeeze %dma_start3A_44 : memref<1x10x3x100xi32, #tpu.memory_space<vmem>> -> memref<10x3x100xi32, #tpu.memory_space<vmem>>
        %dma_start3A_46 = arith.constant 0 : i32
        %dma_start3A_47 = arith.constant 0 : i32
        %dma_start3A_48 = tpu.memref_slice %arg4[%add3A, %mul3A_35, %dma_start3A_46, %dma_start3A_47] : memref<32x100x3x100xi32, #tpu.memory_space<hbm>> -> memref<1x10x3x100xi32, #tpu.memory_space<hbm>>
        %dma_start3A_49 = tpu.memref_squeeze %dma_start3A_48 : memref<1x10x3x100xi32, #tpu.memory_space<hbm>> -> memref<10x3x100xi32, #tpu.memory_space<hbm>>
        %dma_start3A_50 = arith.constant 0 : i32
        %dma_start3A_51 = arith.constant 0 : i32
        %dma_start3A_52 = arith.constant 0 : i32
        %dma_start3A_53 = tpu.memref_slice %arg7[%rem3A_33, %dma_start3A_50, %dma_start3A_51, %dma_start3A_52] : memref<2x10x3x100xi32, #tpu.memory_space<vmem>> -> memref<1x10x3x100xi32, #tpu.memory_space<vmem>>
        %dma_start3A_54 = tpu.memref_squeeze %dma_start3A_53 : memref<1x10x3x100xi32, #tpu.memory_space<vmem>> -> memref<10x3x100xi32, #tpu.memory_space<vmem>>
        %dma_start3A_55 = arith.constant 0 : i32
        %dma_start3A_56 = arith.constant 0 : i32
        %dma_start3A_57 = tpu.memref_slice %arg4[%add3A, %mul3A_35, %dma_start3A_55, %dma_start3A_56] : memref<32x100x3x100xi32, #tpu.memory_space<hbm>> -> memref<1x10x3x100xi32, #tpu.memory_space<hbm>>
        %dma_start3A_58 = tpu.memref_squeeze %dma_start3A_57 : memref<1x10x3x100xi32, #tpu.memory_space<hbm>> -> memref<10x3x100xi32, #tpu.memory_space<hbm>>
        tpu.enqueue_dma source(%dma_start3A_58 : memref<10x3x100xi32, #tpu.memory_space<hbm>>) target(%dma_start3A_54 : memref<10x3x100xi32, #tpu.memory_space<vmem>>) target_semaphore(%run_scoped3A : memref<!tpu.dma_semaphore, #tpu.memory_space<semaphore_mem>>)
        %dma_wait3A_59 = arith.constant 0 : i32
        %dma_wait3A_60 = arith.constant 0 : i32
        %dma_wait3A_61 = arith.constant 0 : i32
        %dma_wait3A_62 = tpu.memref_slice %arg7[%rem3A_33, %dma_wait3A_59, %dma_wait3A_60, %dma_wait3A_61] : memref<2x10x3x100xi32, #tpu.memory_space<vmem>> -> memref<1x10x3x100xi32, #tpu.memory_space<vmem>>
        %dma_wait3A_63 = tpu.memref_squeeze %dma_wait3A_62 : memref<1x10x3x100xi32, #tpu.memory_space<vmem>> -> memref<10x3x100xi32, #tpu.memory_space<vmem>>
        %dma_wait3A_64 = arith.constant 0 : i32
        %dma_wait3A_65 = arith.constant 0 : i32
        %dma_wait3A_66 = tpu.memref_slice %arg4[%add3A, %mul3A_35, %dma_wait3A_64, %dma_wait3A_65] : memref<32x100x3x100xi32, #tpu.memory_space<hbm>> -> memref<1x10x3x100xi32, #tpu.memory_space<hbm>>
        %dma_wait3A_67 = tpu.memref_squeeze %dma_wait3A_66 : memref<1x10x3x100xi32, #tpu.memory_space<hbm>> -> memref<10x3x100xi32, #tpu.memory_space<hbm>>
        %dma_wait3A_68 = arith.constant 0 : i32
        %dma_wait3A_69 = arith.constant 0 : i32
        %dma_wait3A_70 = arith.constant 0 : i32
        %dma_wait3A_71 = tpu.memref_slice %arg7[%rem3A_33, %dma_wait3A_68, %dma_wait3A_69, %dma_wait3A_70] : memref<2x10x3x100xi32, #tpu.memory_space<vmem>> -> memref<1x10x3x100xi32, #tpu.memory_space<vmem>>
        %dma_wait3A_72 = tpu.memref_squeeze %dma_wait3A_71 : memref<1x10x3x100xi32, #tpu.memory_space<vmem>> -> memref<10x3x100xi32, #tpu.memory_space<vmem>>
        %dma_wait3A_73 = arith.constant 0 : i32
        %dma_wait3A_74 = arith.constant 0 : i32
        %dma_wait3A_75 = tpu.memref_slice %arg4[%add3A, %mul3A_35, %dma_wait3A_73, %dma_wait3A_74] : memref<32x100x3x100xi32, #tpu.memory_space<hbm>> -> memref<1x10x3x100xi32, #tpu.memory_space<hbm>>
        %dma_wait3A_76 = tpu.memref_squeeze %dma_wait3A_75 : memref<1x10x3x100xi32, #tpu.memory_space<hbm>> -> memref<10x3x100xi32, #tpu.memory_space<hbm>>
        tpu.wait_dma2 semaphore(%run_scoped3A : memref<!tpu.dma_semaphore, #tpu.memory_space<semaphore_mem>>) src(%dma_wait3A_76 : memref<10x3x100xi32, #tpu.memory_space<hbm>>) dst(%dma_wait3A_72 : memref<10x3x100xi32, #tpu.memory_space<vmem>>)
        tpu.yield
      }) : () -> ()
      %scan3A_36 = arith.constant 0 : i32
      %scan3A_37 = arith.constant 0 : i32
      %scan3A_38 = arith.constant 5 : i32
      %scan3A_39 = arith.addi %scan3A_37, %scan3A_38 : i32
      %scan3A_40 = arith.constant 1 : i32
      scf.for %scan3A_42 = %scan3A_37 to %scan3A_39 step %scan3A_40  : i32 {
        %gt3A = arith.constant 0 : i32
        %gt3A_43 = arith.cmpi sgt, %scan3A_32, %gt3A : i32
        %gt3A_44 = arith.constant 0 : i32
        %gt3A_45 = arith.cmpi sgt, %scan3A_42, %gt3A_44 : i32
        %or3A = arith.ori %gt3A_43, %gt3A_45 : i1
        %mul3A_46 = arith.constant 2 : i32
        %mul3A_47 = arith.muli %mul3A_46, %scan3A_42 : i32
        %add3A_48 = arith.constant 0 : i32
        %add3A_49 = arith.addi %mul3A_47, %add3A_48 : i32
        %convert_element_type3A_50 = arith.extui %or3A : i1 to i32
        %cond3A_51 = arith.constant 0 : i32
        %cond3A_52 = arith.cmpi ne, %convert_element_type3A_50, %cond3A_51 : i32
        scf.if %cond3A_52 {
          %dma_wait3A_145 = arith.constant 1 : i32
          %dma_wait3A_146 = arith.constant 0 : i32
          %dma_wait3A_147 = tpu.memref_slice %arg7[%rem3A_33, %add3A_49, %dma_wait3A_145, %dma_wait3A_146] : memref<2x10x3x100xi32, #tpu.memory_space<vmem>> -> memref<1x1x1x100xi32, #tpu.memory_space<vmem>>
          %dma_wait3A_148 = tpu.memref_squeeze %dma_wait3A_147 : memref<1x1x1x100xi32, #tpu.memory_space<vmem>> -> memref<100xi32, #tpu.memory_space<vmem>>
          %dma_wait3A_149 = arith.constant 0 : i32
          %dma_wait3A_150 = arith.constant 0 : i32
          %dma_wait3A_151 = tpu.memref_slice %arg10[%dma_wait3A_149, %dma_wait3A_150] : memref<10240x144xf32, #tpu.memory_space<vmem_shared>> -> memref<10240x144xf32, #tpu.memory_space<vmem_shared>>
          tpu.wait_indirect_dma semaphore(%arg16 : memref<!tpu.dma_semaphore, #tpu.memory_space<semaphore_mem>>) src(%arg8 : memref<100x144xf32, #tpu.memory_space<vmem>>) dst(%dma_wait3A_151 : memref<10240x144xf32, #tpu.memory_space<vmem_shared>>)
        } else {
        }
        %dma_start3A = arith.constant 0 : i32
        %dma_start3A_53 = arith.constant 0 : i32
        %dma_start3A_54 = tpu.memref_slice %arg7[%rem3A_33, %add3A_49, %dma_start3A, %dma_start3A_53] : memref<2x10x3x100xi32, #tpu.memory_space<vmem>> -> memref<1x1x1x100xi32, #tpu.memory_space<vmem>>
        %dma_start3A_55 = tpu.memref_squeeze %dma_start3A_54 : memref<1x1x1x100xi32, #tpu.memory_space<vmem>> -> memref<100xi32, #tpu.memory_space<vmem>>
        %dma_start3A_56 = arith.constant 0 : i32
        %dma_start3A_57 = arith.constant 0 : i32
        %dma_start3A_58 = tpu.memref_slice %arg2[%dma_start3A_56, %dma_start3A_57] : memref<10000x144xf32, #tpu.memory_space<hbm>> -> memref<10000x144xf32, #tpu.memory_space<hbm>>
        tpu.enqueue_indirect_dma source(%dma_start3A_58 : memref<10000x144xf32, #tpu.memory_space<hbm>>) target(%arg8 : memref<100x144xf32, #tpu.memory_space<vmem>>) offsets(%dma_start3A_55 : memref<100xi32, #tpu.memory_space<vmem>>) semaphore(%arg12 : memref<!tpu.dma_semaphore, #tpu.memory_space<semaphore_mem>>)
        %mul3A_59 = arith.constant 2 : i32
        %mul3A_60 = arith.muli %mul3A_59, %scan3A_42 : i32
        %add3A_61 = arith.constant 1 : i32
        %add3A_62 = arith.addi %mul3A_60, %add3A_61 : i32
        %convert_element_type3A_63 = arith.extui %or3A : i1 to i32
        %cond3A_64 = arith.constant 0 : i32
        %cond3A_65 = arith.cmpi ne, %convert_element_type3A_63, %cond3A_64 : i32
        scf.if %cond3A_65 {
          %dma_wait3A_145 = arith.constant 1 : i32
          %dma_wait3A_146 = arith.constant 0 : i32
          %dma_wait3A_147 = tpu.memref_slice %arg7[%rem3A_33, %add3A_62, %dma_wait3A_145, %dma_wait3A_146] : memref<2x10x3x100xi32, #tpu.memory_space<vmem>> -> memref<1x1x1x100xi32, #tpu.memory_space<vmem>>
          %dma_wait3A_148 = tpu.memref_squeeze %dma_wait3A_147 : memref<1x1x1x100xi32, #tpu.memory_space<vmem>> -> memref<100xi32, #tpu.memory_space<vmem>>
          %dma_wait3A_149 = arith.constant 0 : i32
          %dma_wait3A_150 = arith.constant 0 : i32
          %dma_wait3A_151 = tpu.memref_slice %arg10[%dma_wait3A_149, %dma_wait3A_150] : memref<10240x144xf32, #tpu.memory_space<vmem_shared>> -> memref<10240x144xf32, #tpu.memory_space<vmem_shared>>
          tpu.wait_indirect_dma semaphore(%arg17 : memref<!tpu.dma_semaphore, #tpu.memory_space<semaphore_mem>>) src(%arg9 : memref<100x144xf32, #tpu.memory_space<vmem>>) dst(%dma_wait3A_151 : memref<10240x144xf32, #tpu.memory_space<vmem_shared>>)
        } else {
        }
        %dma_start3A_66 = arith.constant 0 : i32
        %dma_start3A_67 = arith.constant 0 : i32
        %dma_start3A_68 = tpu.memref_slice %arg7[%rem3A_33, %add3A_62, %dma_start3A_66, %dma_start3A_67] : memref<2x10x3x100xi32, #tpu.memory_space<vmem>> -> memref<1x1x1x100xi32, #tpu.memory_space<vmem>>
        %dma_start3A_69 = tpu.memref_squeeze %dma_start3A_68 : memref<1x1x1x100xi32, #tpu.memory_space<vmem>> -> memref<100xi32, #tpu.memory_space<vmem>>
        %dma_start3A_70 = arith.constant 0 : i32
        %dma_start3A_71 = arith.constant 0 : i32
        %dma_start3A_72 = tpu.memref_slice %arg2[%dma_start3A_70, %dma_start3A_71] : memref<10000x144xf32, #tpu.memory_space<hbm>> -> memref<10000x144xf32, #tpu.memory_space<hbm>>
        tpu.enqueue_indirect_dma source(%dma_start3A_72 : memref<10000x144xf32, #tpu.memory_space<hbm>>) target(%arg9 : memref<100x144xf32, #tpu.memory_space<vmem>>) offsets(%dma_start3A_69 : memref<100xi32, #tpu.memory_space<vmem>>) semaphore(%arg13 : memref<!tpu.dma_semaphore, #tpu.memory_space<semaphore_mem>>)
        %mul3A_73 = arith.constant 2 : i32
        %mul3A_74 = arith.muli %mul3A_73, %scan3A_42 : i32
        %add3A_75 = arith.constant 0 : i32
        %add3A_76 = arith.addi %mul3A_74, %add3A_75 : i32
        %dma_wait3A_77 = arith.constant 0 : i32
        %dma_wait3A_78 = arith.constant 0 : i32
        %dma_wait3A_79 = tpu.memref_slice %arg7[%rem3A_33, %add3A_76, %dma_wait3A_77, %dma_wait3A_78] : memref<2x10x3x100xi32, #tpu.memory_space<vmem>> -> memref<1x1x1x100xi32, #tpu.memory_space<vmem>>
        %dma_wait3A_80 = tpu.memref_squeeze %dma_wait3A_79 : memref<1x1x1x100xi32, #tpu.memory_space<vmem>> -> memref<100xi32, #tpu.memory_space<vmem>>
        %dma_wait3A_81 = arith.constant 0 : i32
        %dma_wait3A_82 = arith.constant 0 : i32
        %dma_wait3A_83 = tpu.memref_slice %arg2[%dma_wait3A_81, %dma_wait3A_82] : memref<10000x144xf32, #tpu.memory_space<hbm>> -> memref<10000x144xf32, #tpu.memory_space<hbm>>
        tpu.wait_indirect_dma semaphore(%arg12 : memref<!tpu.dma_semaphore, #tpu.memory_space<semaphore_mem>>) src(%dma_wait3A_83 : memref<10000x144xf32, #tpu.memory_space<hbm>>) dst(%arg8 : memref<100x144xf32, #tpu.memory_space<vmem>>)
        %dma_start3A_84 = arith.constant 2 : i32
        %dma_start3A_85 = arith.constant 0 : i32
        %dma_start3A_86 = tpu.memref_slice %arg7[%rem3A_33, %add3A_76, %dma_start3A_84, %dma_start3A_85] : memref<2x10x3x100xi32, #tpu.memory_space<vmem>> -> memref<1x1x1x100xi32, #tpu.memory_space<vmem>>
        %dma_start3A_87 = tpu.memref_squeeze %dma_start3A_86 : memref<1x1x1x100xi32, #tpu.memory_space<vmem>> -> memref<100xi32, #tpu.memory_space<vmem>>
        %dma_start3A_88 = arith.constant 0 : i32
        %dma_start3A_89 = arith.constant 0 : i32
        %dma_start3A_90 = tpu.memref_slice %arg11[%dma_start3A_88, %dma_start3A_89] : memref<200x144xf32, #tpu.memory_space<vmem_shared>> -> memref<200x144xf32, #tpu.memory_space<vmem_shared>>
        tpu.enqueue_indirect_dma source(%dma_start3A_90 : memref<200x144xf32, #tpu.memory_space<vmem_shared>>) target(%arg8 : memref<100x144xf32, #tpu.memory_space<vmem>>) offsets(%dma_start3A_87 : memref<100xi32, #tpu.memory_space<vmem>>) semaphore(%arg14 : memref<!tpu.dma_semaphore, #tpu.memory_space<semaphore_mem>>) {add = true}
        %mul3A_91 = arith.constant 2 : i32
        %mul3A_92 = arith.muli %mul3A_91, %scan3A_42 : i32
        %add3A_93 = arith.constant 1 : i32
        %add3A_94 = arith.addi %mul3A_92, %add3A_93 : i32
        %dma_wait3A_95 = arith.constant 0 : i32
        %dma_wait3A_96 = arith.constant 0 : i32
        %dma_wait3A_97 = tpu.memref_slice %arg7[%rem3A_33, %add3A_94, %dma_wait3A_95, %dma_wait3A_96] : memref<2x10x3x100xi32, #tpu.memory_space<vmem>> -> memref<1x1x1x100xi32, #tpu.memory_space<vmem>>
        %dma_wait3A_98 = tpu.memref_squeeze %dma_wait3A_97 : memref<1x1x1x100xi32, #tpu.memory_space<vmem>> -> memref<100xi32, #tpu.memory_space<vmem>>
        %dma_wait3A_99 = arith.constant 0 : i32
        %dma_wait3A_100 = arith.constant 0 : i32
        %dma_wait3A_101 = tpu.memref_slice %arg2[%dma_wait3A_99, %dma_wait3A_100] : memref<10000x144xf32, #tpu.memory_space<hbm>> -> memref<10000x144xf32, #tpu.memory_space<hbm>>
        tpu.wait_indirect_dma semaphore(%arg13 : memref<!tpu.dma_semaphore, #tpu.memory_space<semaphore_mem>>) src(%dma_wait3A_101 : memref<10000x144xf32, #tpu.memory_space<hbm>>) dst(%arg9 : memref<100x144xf32, #tpu.memory_space<vmem>>)
        %dma_start3A_102 = arith.constant 2 : i32
        %dma_start3A_103 = arith.constant 0 : i32
        %dma_start3A_104 = tpu.memref_slice %arg7[%rem3A_33, %add3A_94, %dma_start3A_102, %dma_start3A_103] : memref<2x10x3x100xi32, #tpu.memory_space<vmem>> -> memref<1x1x1x100xi32, #tpu.memory_space<vmem>>
        %dma_start3A_105 = tpu.memref_squeeze %dma_start3A_104 : memref<1x1x1x100xi32, #tpu.memory_space<vmem>> -> memref<100xi32, #tpu.memory_space<vmem>>
        %dma_start3A_106 = arith.constant 0 : i32
        %dma_start3A_107 = arith.constant 0 : i32
        %dma_start3A_108 = tpu.memref_slice %arg11[%dma_start3A_106, %dma_start3A_107] : memref<200x144xf32, #tpu.memory_space<vmem_shared>> -> memref<200x144xf32, #tpu.memory_space<vmem_shared>>
        tpu.enqueue_indirect_dma source(%dma_start3A_108 : memref<200x144xf32, #tpu.memory_space<vmem_shared>>) target(%arg9 : memref<100x144xf32, #tpu.memory_space<vmem>>) offsets(%dma_start3A_105 : memref<100xi32, #tpu.memory_space<vmem>>) semaphore(%arg15 : memref<!tpu.dma_semaphore, #tpu.memory_space<semaphore_mem>>) {add = true}
        %mul3A_109 = arith.constant 2 : i32
        %mul3A_110 = arith.muli %mul3A_109, %scan3A_42 : i32
        %add3A_111 = arith.constant 0 : i32
        %add3A_112 = arith.addi %mul3A_110, %add3A_111 : i32
        %dma_wait3A_113 = arith.constant 2 : i32
        %dma_wait3A_114 = arith.constant 0 : i32
        %dma_wait3A_115 = tpu.memref_slice %arg7[%rem3A_33, %add3A_112, %dma_wait3A_113, %dma_wait3A_114] : memref<2x10x3x100xi32, #tpu.memory_space<vmem>> -> memref<1x1x1x100xi32, #tpu.memory_space<vmem>>
        %dma_wait3A_116 = tpu.memref_squeeze %dma_wait3A_115 : memref<1x1x1x100xi32, #tpu.memory_space<vmem>> -> memref<100xi32, #tpu.memory_space<vmem>>
        %dma_wait3A_117 = arith.constant 0 : i32
        %dma_wait3A_118 = arith.constant 0 : i32
        %dma_wait3A_119 = tpu.memref_slice %arg11[%dma_wait3A_117, %dma_wait3A_118] : memref<200x144xf32, #tpu.memory_space<vmem_shared>> -> memref<200x144xf32, #tpu.memory_space<vmem_shared>>
        tpu.wait_indirect_dma semaphore(%arg14 : memref<!tpu.dma_semaphore, #tpu.memory_space<semaphore_mem>>) src(%dma_wait3A_119 : memref<200x144xf32, #tpu.memory_space<vmem_shared>>) dst(%arg8 : memref<100x144xf32, #tpu.memory_space<vmem>>)
        %dma_start3A_120 = arith.constant 1 : i32
        %dma_start3A_121 = arith.constant 0 : i32
        %dma_start3A_122 = tpu.memref_slice %arg7[%rem3A_33, %add3A_112, %dma_start3A_120, %dma_start3A_121] : memref<2x10x3x100xi32, #tpu.memory_space<vmem>> -> memref<1x1x1x100xi32, #tpu.memory_space<vmem>>
        %dma_start3A_123 = tpu.memref_squeeze %dma_start3A_122 : memref<1x1x1x100xi32, #tpu.memory_space<vmem>> -> memref<100xi32, #tpu.memory_space<vmem>>
        %dma_start3A_124 = arith.constant 0 : i32
        %dma_start3A_125 = arith.constant 0 : i32
        %dma_start3A_126 = tpu.memref_slice %arg10[%dma_start3A_124, %dma_start3A_125] : memref<10240x144xf32, #tpu.memory_space<vmem_shared>> -> memref<10240x144xf32, #tpu.memory_space<vmem_shared>>
        tpu.enqueue_indirect_dma source(%arg8 : memref<100x144xf32, #tpu.memory_space<vmem>>) target(%dma_start3A_126 : memref<10240x144xf32, #tpu.memory_space<vmem_shared>>) offsets(%dma_start3A_123 : memref<100xi32, #tpu.memory_space<vmem>>) semaphore(%arg16 : memref<!tpu.dma_semaphore, #tpu.memory_space<semaphore_mem>>) {add = true}
        %mul3A_127 = arith.constant 2 : i32
        %mul3A_128 = arith.muli %mul3A_127, %scan3A_42 : i32
        %add3A_129 = arith.constant 1 : i32
        %add3A_130 = arith.addi %mul3A_128, %add3A_129 : i32
        %dma_wait3A_131 = arith.constant 2 : i32
        %dma_wait3A_132 = arith.constant 0 : i32
        %dma_wait3A_133 = tpu.memref_slice %arg7[%rem3A_33, %add3A_130, %dma_wait3A_131, %dma_wait3A_132] : memref<2x10x3x100xi32, #tpu.memory_space<vmem>> -> memref<1x1x1x100xi32, #tpu.memory_space<vmem>>
        %dma_wait3A_134 = tpu.memref_squeeze %dma_wait3A_133 : memref<1x1x1x100xi32, #tpu.memory_space<vmem>> -> memref<100xi32, #tpu.memory_space<vmem>>
        %dma_wait3A_135 = arith.constant 0 : i32
        %dma_wait3A_136 = arith.constant 0 : i32
        %dma_wait3A_137 = tpu.memref_slice %arg11[%dma_wait3A_135, %dma_wait3A_136] : memref<200x144xf32, #tpu.memory_space<vmem_shared>> -> memref<200x144xf32, #tpu.memory_space<vmem_shared>>
        tpu.wait_indirect_dma semaphore(%arg15 : memref<!tpu.dma_semaphore, #tpu.memory_space<semaphore_mem>>) src(%dma_wait3A_137 : memref<200x144xf32, #tpu.memory_space<vmem_shared>>) dst(%arg9 : memref<100x144xf32, #tpu.memory_space<vmem>>)
        %dma_start3A_138 = arith.constant 1 : i32
        %dma_start3A_139 = arith.constant 0 : i32
        %dma_start3A_140 = tpu.memref_slice %arg7[%rem3A_33, %add3A_130, %dma_start3A_138, %dma_start3A_139] : memref<2x10x3x100xi32, #tpu.memory_space<vmem>> -> memref<1x1x1x100xi32, #tpu.memory_space<vmem>>
        %dma_start3A_141 = tpu.memref_squeeze %dma_start3A_140 : memref<1x1x1x100xi32, #tpu.memory_space<vmem>> -> memref<100xi32, #tpu.memory_space<vmem>>
        %dma_start3A_142 = arith.constant 0 : i32
        %dma_start3A_143 = arith.constant 0 : i32
        %dma_start3A_144 = tpu.memref_slice %arg10[%dma_start3A_142, %dma_start3A_143] : memref<10240x144xf32, #tpu.memory_space<vmem_shared>> -> memref<10240x144xf32, #tpu.memory_space<vmem_shared>>
        tpu.enqueue_indirect_dma source(%arg9 : memref<100x144xf32, #tpu.memory_space<vmem>>) target(%dma_start3A_144 : memref<10240x144xf32, #tpu.memory_space<vmem_shared>>) offsets(%dma_start3A_141 : memref<100xi32, #tpu.memory_space<vmem>>) semaphore(%arg17 : memref<!tpu.dma_semaphore, #tpu.memory_space<semaphore_mem>>) {add = true}
      }
      %scan3A_41 = arith.constant 5 : i32
    }
    %scan3A_9 = arith.constant 10 : i32
    %dma_wait3A = arith.constant 0 : i32
    %dma_wait3A_10 = arith.constant 0 : i32
    %dma_wait3A_11 = arith.constant 1 : i32
    %dma_wait3A_12 = arith.constant 0 : i32
    %dma_wait3A_13 = tpu.memref_slice %arg7[%dma_wait3A, %dma_wait3A_10, %dma_wait3A_11, %dma_wait3A_12] : memref<2x10x3x100xi32, #tpu.memory_space<vmem>> -> memref<1x1x1x100xi32, #tpu.memory_space<vmem>>
    %dma_wait3A_14 = tpu.memref_squeeze %dma_wait3A_13 : memref<1x1x1x100xi32, #tpu.memory_space<vmem>> -> memref<100xi32, #tpu.memory_space<vmem>>
    %dma_wait3A_15 = arith.constant 0 : i32
    %dma_wait3A_16 = arith.constant 0 : i32
    %dma_wait3A_17 = tpu.memref_slice %arg10[%dma_wait3A_15, %dma_wait3A_16] : memref<10240x144xf32, #tpu.memory_space<vmem_shared>> -> memref<10240x144xf32, #tpu.memory_space<vmem_shared>>
    tpu.wait_indirect_dma semaphore(%arg16 : memref<!tpu.dma_semaphore, #tpu.memory_space<semaphore_mem>>) src(%arg8 : memref<100x144xf32, #tpu.memory_space<vmem>>) dst(%dma_wait3A_17 : memref<10240x144xf32, #tpu.memory_space<vmem_shared>>)
    %dma_wait3A_18 = arith.constant 0 : i32
    %dma_wait3A_19 = arith.constant 0 : i32
    %dma_wait3A_20 = arith.constant 1 : i32
    %dma_wait3A_21 = arith.constant 0 : i32
    %dma_wait3A_22 = tpu.memref_slice %arg7[%dma_wait3A_18, %dma_wait3A_19, %dma_wait3A_20, %dma_wait3A_21] : memref<2x10x3x100xi32, #tpu.memory_space<vmem>> -> memref<1x1x1x100xi32, #tpu.memory_space<vmem>>
    %dma_wait3A_23 = tpu.memref_squeeze %dma_wait3A_22 : memref<1x1x1x100xi32, #tpu.memory_space<vmem>> -> memref<100xi32, #tpu.memory_space<vmem>>
    %dma_wait3A_24 = arith.constant 0 : i32
    %dma_wait3A_25 = arith.constant 0 : i32
    %dma_wait3A_26 = tpu.memref_slice %arg10[%dma_wait3A_24, %dma_wait3A_25] : memref<10240x144xf32, #tpu.memory_space<vmem_shared>> -> memref<10240x144xf32, #tpu.memory_space<vmem_shared>>
    tpu.wait_indirect_dma semaphore(%arg17 : memref<!tpu.dma_semaphore, #tpu.memory_space<semaphore_mem>>) src(%arg9 : memref<100x144xf32, #tpu.memory_space<vmem>>) dst(%dma_wait3A_26 : memref<10240x144xf32, #tpu.memory_space<vmem_shared>>)
    %barrier3A_27 = arith.constant 0 : index
    tpu.barrier barrier_id(%barrier3A_27)
    %mul3A_28 = arith.constant 640 : i32
    %mul3A_29 = arith.muli %arg1, %mul3A_28 : i32
    %mul3A_30 = arith.constant 640 : i32
    %mul3A_31 = arith.muli %arg1, %mul3A_30 : i32
    "tpu.region"() ({
      %run_scoped3A = tpu.sem_alloc : memref<!tpu.dma_semaphore, #tpu.memory_space<semaphore_mem>>
      %dma_start3A = arith.constant 0 : i32
      %dma_start3A_32 = tpu.memref_slice %arg6[%arg0, %mul3A_31, %dma_start3A] : memref<2x10240x144xf32, #tpu.memory_space<hbm>> -> memref<1x640x144xf32, #tpu.memory_space<hbm>>
      %dma_start3A_33 = tpu.memref_squeeze %dma_start3A_32 : memref<1x640x144xf32, #tpu.memory_space<hbm>> -> memref<640x144xf32, #tpu.memory_space<hbm>>
      %dma_start3A_34 = arith.constant 0 : i32
      %dma_start3A_35 = tpu.memref_slice %arg10[%mul3A_29, %dma_start3A_34] : memref<10240x144xf32, #tpu.memory_space<vmem_shared>> -> memref<640x144xf32, #tpu.memory_space<vmem_shared>>
      tpu.enqueue_dma source(%dma_start3A_35 : memref<640x144xf32, #tpu.memory_space<vmem_shared>>) target(%dma_start3A_33 : memref<640x144xf32, #tpu.memory_space<hbm>>) target_semaphore(%run_scoped3A : memref<!tpu.dma_semaphore, #tpu.memory_space<semaphore_mem>>)
      %dma_wait3A_36 = arith.constant 0 : i32
      %dma_wait3A_37 = tpu.memref_slice %arg6[%arg0, %mul3A_31, %dma_wait3A_36] : memref<2x10240x144xf32, #tpu.memory_space<hbm>> -> memref<1x640x144xf32, #tpu.memory_space<hbm>>
      %dma_wait3A_38 = tpu.memref_squeeze %dma_wait3A_37 : memref<1x640x144xf32, #tpu.memory_space<hbm>> -> memref<640x144xf32, #tpu.memory_space<hbm>>
      %dma_wait3A_39 = arith.constant 0 : i32
      %dma_wait3A_40 = tpu.memref_slice %arg10[%mul3A_29, %dma_wait3A_39] : memref<10240x144xf32, #tpu.memory_space<vmem_shared>> -> memref<640x144xf32, #tpu.memory_space<vmem_shared>>
      tpu.wait_dma2 semaphore(%run_scoped3A : memref<!tpu.dma_semaphore, #tpu.memory_space<semaphore_mem>>) src(%dma_wait3A_40 : memref<640x144xf32, #tpu.memory_space<vmem_shared>>) dst(%dma_wait3A_38 : memref<640x144xf32, #tpu.memory_space<hbm>>)
      tpu.yield
    }) : () -> ()
    return
  }
}

#map = affine_map<(d0, d1) -> (0, 0)>
#map1 = affine_map<(d0, d1) -> (0)>
module attributes {stable_mosaic.version = 14 : i64} {
  func.func @_sc_lookup(%arg0: i32, %arg1: i32, %arg2: memref<10000x128xf32, #tpu.memory_space<hbm>>, %arg3: memref<200x128xf32, #tpu.memory_space<hbm>>, %arg4: memref<4096xi32, #tpu.memory_space<hbm>>, %arg5: memref<4096xi32, #tpu.memory_space<hbm>>, %arg6: memref<4096x128xf32, #tpu.memory_space<hbm>>, %arg7: memref<4096x128xf32, #tpu.memory_space<hbm>>, %arg8: memref<128xi32, #tpu.memory_space<vmem>>, %arg9: memref<128xi32, #tpu.memory_space<vmem>>, %arg10: memref<128x128xf32, #tpu.memory_space<vmem>>, %arg11: memref<128x128xf32, #tpu.memory_space<vmem>>, %arg12: memref<!tpu.dma_semaphore, #tpu.memory_space<semaphore_mem>>, %arg13: memref<!tpu.dma_semaphore, #tpu.memory_space<semaphore_mem>>) attributes {dimension_semantics = [#tpu.dimension_semantics<core_parallel>, #tpu.dimension_semantics<subcore_parallel>], iteration_bounds = array<i64: 2, 16>, scalar_prefetch = 0 : i64, scratch_operands = 6 : i64, tpu.core_type = #tpu.core_type<sc_vector_subcore>, window_params = [{transform_indices = #map}, {transform_indices = #map}, {transform_indices = #map1}, {transform_indices = #map1}, {transform_indices = #map}, {transform_indices = #map}]} {
    %mul3A = arith.constant 16 : i32
    %mul3A_0 = arith.muli %arg0, %mul3A : i32
    %add3A = arith.addi %mul3A_0, %arg1 : i32
    %mul3A_1 = arith.constant 128 : i32
    %mul3A_2 = arith.muli %add3A, %mul3A_1 : i32
    "tpu.region"() ({
      %run_scoped3A = tpu.sem_alloc : memref<!tpu.dma_semaphore, #tpu.memory_space<semaphore_mem>>
      %dma_start3A_13 = tpu.memref_slice %arg4[%mul3A_2] : memref<4096xi32, #tpu.memory_space<hbm>> -> memref<128xi32, #tpu.memory_space<hbm>>
      %dma_start3A_14 = tpu.memref_slice %arg4[%mul3A_2] : memref<4096xi32, #tpu.memory_space<hbm>> -> memref<128xi32, #tpu.memory_space<hbm>>
      tpu.enqueue_dma source(%dma_start3A_14 : memref<128xi32, #tpu.memory_space<hbm>>) target(%arg8 : memref<128xi32, #tpu.memory_space<vmem>>) target_semaphore(%run_scoped3A : memref<!tpu.dma_semaphore, #tpu.memory_space<semaphore_mem>>)
      %dma_wait3A_15 = tpu.memref_slice %arg4[%mul3A_2] : memref<4096xi32, #tpu.memory_space<hbm>> -> memref<128xi32, #tpu.memory_space<hbm>>
      %dma_wait3A_16 = tpu.memref_slice %arg4[%mul3A_2] : memref<4096xi32, #tpu.memory_space<hbm>> -> memref<128xi32, #tpu.memory_space<hbm>>
      tpu.wait_dma2 semaphore(%run_scoped3A : memref<!tpu.dma_semaphore, #tpu.memory_space<semaphore_mem>>) src(%dma_wait3A_16 : memref<128xi32, #tpu.memory_space<hbm>>) dst(%arg8 : memref<128xi32, #tpu.memory_space<vmem>>)
      tpu.yield
    }) : () -> ()
    "tpu.region"() ({
      %run_scoped3A = tpu.sem_alloc : memref<!tpu.dma_semaphore, #tpu.memory_space<semaphore_mem>>
      %dma_start3A_13 = tpu.memref_slice %arg5[%mul3A_2] : memref<4096xi32, #tpu.memory_space<hbm>> -> memref<128xi32, #tpu.memory_space<hbm>>
      %dma_start3A_14 = tpu.memref_slice %arg5[%mul3A_2] : memref<4096xi32, #tpu.memory_space<hbm>> -> memref<128xi32, #tpu.memory_space<hbm>>
      tpu.enqueue_dma source(%dma_start3A_14 : memref<128xi32, #tpu.memory_space<hbm>>) target(%arg9 : memref<128xi32, #tpu.memory_space<vmem>>) target_semaphore(%run_scoped3A : memref<!tpu.dma_semaphore, #tpu.memory_space<semaphore_mem>>)
      %dma_wait3A_15 = tpu.memref_slice %arg5[%mul3A_2] : memref<4096xi32, #tpu.memory_space<hbm>> -> memref<128xi32, #tpu.memory_space<hbm>>
      %dma_wait3A_16 = tpu.memref_slice %arg5[%mul3A_2] : memref<4096xi32, #tpu.memory_space<hbm>> -> memref<128xi32, #tpu.memory_space<hbm>>
      tpu.wait_dma2 semaphore(%run_scoped3A : memref<!tpu.dma_semaphore, #tpu.memory_space<semaphore_mem>>) src(%dma_wait3A_16 : memref<128xi32, #tpu.memory_space<hbm>>) dst(%arg9 : memref<128xi32, #tpu.memory_space<vmem>>)
      tpu.yield
    }) : () -> ()
    %dma_start3A = arith.constant 0 : i32
    %dma_start3A_3 = arith.constant 0 : i32
    %dma_start3A_4 = tpu.memref_slice %arg2[%dma_start3A, %dma_start3A_3] : memref<10000x128xf32, #tpu.memory_space<hbm>> -> memref<10000x128xf32, #tpu.memory_space<hbm>>
    tpu.enqueue_indirect_dma source(%dma_start3A_4 : memref<10000x128xf32, #tpu.memory_space<hbm>>) target(%arg10 : memref<128x128xf32, #tpu.memory_space<vmem>>) offsets(%arg8 : memref<128xi32, #tpu.memory_space<vmem>>) semaphore(%arg12 : memref<!tpu.dma_semaphore, #tpu.memory_space<semaphore_mem>>)
    %dma_start3A_5 = arith.constant 0 : i32
    %dma_start3A_6 = arith.constant 0 : i32
    %dma_start3A_7 = tpu.memref_slice %arg3[%dma_start3A_5, %dma_start3A_6] : memref<200x128xf32, #tpu.memory_space<hbm>> -> memref<200x128xf32, #tpu.memory_space<hbm>>
    tpu.enqueue_indirect_dma source(%dma_start3A_7 : memref<200x128xf32, #tpu.memory_space<hbm>>) target(%arg11 : memref<128x128xf32, #tpu.memory_space<vmem>>) offsets(%arg9 : memref<128xi32, #tpu.memory_space<vmem>>) semaphore(%arg13 : memref<!tpu.dma_semaphore, #tpu.memory_space<semaphore_mem>>)
    %dma_wait3A = arith.constant 0 : i32
    %dma_wait3A_8 = arith.constant 0 : i32
    %dma_wait3A_9 = tpu.memref_slice %arg2[%dma_wait3A, %dma_wait3A_8] : memref<10000x128xf32, #tpu.memory_space<hbm>> -> memref<10000x128xf32, #tpu.memory_space<hbm>>
    tpu.wait_indirect_dma semaphore(%arg12 : memref<!tpu.dma_semaphore, #tpu.memory_space<semaphore_mem>>) src(%dma_wait3A_9 : memref<10000x128xf32, #tpu.memory_space<hbm>>) dst(%arg10 : memref<128x128xf32, #tpu.memory_space<vmem>>)
    %dma_wait3A_10 = arith.constant 0 : i32
    %dma_wait3A_11 = arith.constant 0 : i32
    %dma_wait3A_12 = tpu.memref_slice %arg3[%dma_wait3A_10, %dma_wait3A_11] : memref<200x128xf32, #tpu.memory_space<hbm>> -> memref<200x128xf32, #tpu.memory_space<hbm>>
    tpu.wait_indirect_dma semaphore(%arg13 : memref<!tpu.dma_semaphore, #tpu.memory_space<semaphore_mem>>) src(%dma_wait3A_12 : memref<200x128xf32, #tpu.memory_space<hbm>>) dst(%arg11 : memref<128x128xf32, #tpu.memory_space<vmem>>)
    "tpu.region"() ({
      %run_scoped3A = tpu.sem_alloc : memref<!tpu.dma_semaphore, #tpu.memory_space<semaphore_mem>>
      %dma_start3A_13 = arith.constant 0 : i32
      %dma_start3A_14 = tpu.memref_slice %arg6[%mul3A_2, %dma_start3A_13] : memref<4096x128xf32, #tpu.memory_space<hbm>> -> memref<128x128xf32, #tpu.memory_space<hbm>>
      %dma_start3A_15 = arith.constant 0 : i32
      %dma_start3A_16 = tpu.memref_slice %arg6[%mul3A_2, %dma_start3A_15] : memref<4096x128xf32, #tpu.memory_space<hbm>> -> memref<128x128xf32, #tpu.memory_space<hbm>>
      tpu.enqueue_dma source(%arg10 : memref<128x128xf32, #tpu.memory_space<vmem>>) target(%dma_start3A_16 : memref<128x128xf32, #tpu.memory_space<hbm>>) target_semaphore(%run_scoped3A : memref<!tpu.dma_semaphore, #tpu.memory_space<semaphore_mem>>)
      %dma_wait3A_17 = arith.constant 0 : i32
      %dma_wait3A_18 = tpu.memref_slice %arg6[%mul3A_2, %dma_wait3A_17] : memref<4096x128xf32, #tpu.memory_space<hbm>> -> memref<128x128xf32, #tpu.memory_space<hbm>>
      %dma_wait3A_19 = arith.constant 0 : i32
      %dma_wait3A_20 = tpu.memref_slice %arg6[%mul3A_2, %dma_wait3A_19] : memref<4096x128xf32, #tpu.memory_space<hbm>> -> memref<128x128xf32, #tpu.memory_space<hbm>>
      tpu.wait_dma2 semaphore(%run_scoped3A : memref<!tpu.dma_semaphore, #tpu.memory_space<semaphore_mem>>) src(%arg10 : memref<128x128xf32, #tpu.memory_space<vmem>>) dst(%dma_wait3A_20 : memref<128x128xf32, #tpu.memory_space<hbm>>)
      tpu.yield
    }) : () -> ()
    "tpu.region"() ({
      %run_scoped3A = tpu.sem_alloc : memref<!tpu.dma_semaphore, #tpu.memory_space<semaphore_mem>>
      %dma_start3A_13 = arith.constant 0 : i32
      %dma_start3A_14 = tpu.memref_slice %arg7[%mul3A_2, %dma_start3A_13] : memref<4096x128xf32, #tpu.memory_space<hbm>> -> memref<128x128xf32, #tpu.memory_space<hbm>>
      %dma_start3A_15 = arith.constant 0 : i32
      %dma_start3A_16 = tpu.memref_slice %arg7[%mul3A_2, %dma_start3A_15] : memref<4096x128xf32, #tpu.memory_space<hbm>> -> memref<128x128xf32, #tpu.memory_space<hbm>>
      tpu.enqueue_dma source(%arg11 : memref<128x128xf32, #tpu.memory_space<vmem>>) target(%dma_start3A_16 : memref<128x128xf32, #tpu.memory_space<hbm>>) target_semaphore(%run_scoped3A : memref<!tpu.dma_semaphore, #tpu.memory_space<semaphore_mem>>)
      %dma_wait3A_17 = arith.constant 0 : i32
      %dma_wait3A_18 = tpu.memref_slice %arg7[%mul3A_2, %dma_wait3A_17] : memref<4096x128xf32, #tpu.memory_space<hbm>> -> memref<128x128xf32, #tpu.memory_space<hbm>>
      %dma_wait3A_19 = arith.constant 0 : i32
      %dma_wait3A_20 = tpu.memref_slice %arg7[%mul3A_2, %dma_wait3A_19] : memref<4096x128xf32, #tpu.memory_space<hbm>> -> memref<128x128xf32, #tpu.memory_space<hbm>>
      tpu.wait_dma2 semaphore(%run_scoped3A : memref<!tpu.dma_semaphore, #tpu.memory_space<semaphore_mem>>) src(%arg11 : memref<128x128xf32, #tpu.memory_space<vmem>>) dst(%dma_wait3A_20 : memref<128x128xf32, #tpu.memory_space<hbm>>)
      tpu.yield
    }) : () -> ()
    return
  }
}

module attributes {stable_mosaic.version = 14 : i64} {
  func.func @_tc_dense(%arg0: memref<2x10240x144xf32, #tpu.memory_space<vmem>>, %arg1: memref<10000x128xf32, #tpu.memory_space<vmem>>, %arg2: memref<128x128xf32, #tpu.memory_space<vmem>>, %arg3: memref<128x128xf32, #tpu.memory_space<vmem>>, %arg4: memref<1x128xf32, #tpu.memory_space<vmem>>, %arg5: memref<200x128xf32, #tpu.memory_space<vmem>>, %arg6: memref<128x128xf32, #tpu.memory_space<vmem>>, %arg7: memref<10000x128xf32, #tpu.memory_space<vmem>>, %arg8: memref<200x128xf32, #tpu.memory_space<vmem>>) attributes {dimension_semantics = [], scalar_prefetch = 0 : i64, scratch_operands = 0 : i64, tpu.core_type = #tpu.core_type<tc>} {
    %get3A = arith.constant 0 : index
    %get3A_0 = arith.constant 0 : index
    %get3A_1 = arith.constant 0 : index
    %get3A_2 = vector.load %arg0[%get3A, %get3A_0, %get3A_1] : memref<2x10240x144xf32, #tpu.memory_space<vmem>>, vector<1x10000x128xf32>
    %get3A_3 = vector.shape_cast %get3A_2 : vector<1x10000x128xf32> to vector<10000x128xf32>
    %get3A_4 = arith.constant 1 : index
    %get3A_5 = arith.constant 0 : index
    %get3A_6 = arith.constant 0 : index
    %get3A_7 = vector.load %arg0[%get3A_4, %get3A_5, %get3A_6] : memref<2x10240x144xf32, #tpu.memory_space<vmem>>, vector<1x10000x128xf32>
    %get3A_8 = vector.shape_cast %get3A_7 : vector<1x10000x128xf32> to vector<10000x128xf32>
    %add3A = arith.addf %get3A_3, %get3A_8 : vector<10000x128xf32>
    %get3A_9 = arith.constant 0 : index
    %get3A_10 = arith.constant 0 : index
    %get3A_11 = arith.constant 128 : index
    %get3A_12 = vector.load %arg0[%get3A_9, %get3A_10, %get3A_11] : memref<2x10240x144xf32, #tpu.memory_space<vmem>>, vector<1x10000x1xf32>
    %get3A_13 = vector.shape_cast %get3A_12 : vector<1x10000x1xf32> to vector<10000x1xf32>
    %get3A_14 = arith.constant 1 : index
    %get3A_15 = arith.constant 0 : index
    %get3A_16 = arith.constant 128 : index
    %get3A_17 = vector.load %arg0[%get3A_14, %get3A_15, %get3A_16] : memref<2x10240x144xf32, #tpu.memory_space<vmem>>, vector<1x10000x1xf32>
    %get3A_18 = vector.shape_cast %get3A_17 : vector<1x10000x1xf32> to vector<10000x1xf32>
    %add3A_19 = arith.addf %get3A_13, %get3A_18 : vector<10000x1xf32>
    %max3A = arith.constant 1.000000e+00 : f32
    %max3A_20 = vector.broadcast %max3A : f32 to vector<10000x1xf32>
    %max3A_21 = arith.maximumf %add3A_19, %max3A_20 : vector<10000x1xf32>
    %div3A = arith.constant 1.000000e+00 : f32
    %div3A_22 = vector.broadcast %div3A : f32 to vector<10000x1xf32>
    %div3A_23 = arith.divf %div3A_22, %max3A_21 : vector<10000x1xf32>
    %get3A_24 = arith.constant 0 : index
    %get3A_25 = arith.constant 0 : index
    %get3A_26 = vector.load %arg2[%get3A_24, %get3A_25] : memref<128x128xf32, #tpu.memory_space<vmem>>, vector<128x128xf32>
    %dot_general3A = arith.constant dense<0.000000e+00> : vector<10000x128xf32>
    %dot_general3A_27 = tpu.matmul %add3A, %get3A_26, %dot_general3A {dimension_numbers = #tpu.dot_dimension_numbers<[1], [0], [0], [1], [0, 0, 1, 1], [], []>, transpose_lhs_hint = false} : vector<10000x128xf32>, vector<128x128xf32>, vector<10000x128xf32> -> vector<10000x128xf32>
    %mul3A = vector.broadcast %div3A_23 : vector<10000x1xf32> to vector<10000x128xf32>
    %mul3A_28 = arith.mulf %dot_general3A_27, %mul3A : vector<10000x128xf32>
    %get3A_29 = arith.constant 0 : index
    %get3A_30 = arith.constant 0 : index
    %get3A_31 = vector.load %arg1[%get3A_29, %get3A_30] : memref<10000x128xf32, #tpu.memory_space<vmem>>, vector<10000x128xf32>
    %get3A_32 = arith.constant 0 : index
    %get3A_33 = arith.constant 0 : index
    %get3A_34 = vector.load %arg3[%get3A_32, %get3A_33] : memref<128x128xf32, #tpu.memory_space<vmem>>, vector<128x128xf32>
    %dot_general3A_35 = arith.constant dense<0.000000e+00> : vector<10000x128xf32>
    %dot_general3A_36 = tpu.matmul %get3A_31, %get3A_34, %dot_general3A_35 {dimension_numbers = #tpu.dot_dimension_numbers<[1], [0], [0], [1], [0, 0, 1, 1], [], []>, transpose_lhs_hint = false} : vector<10000x128xf32>, vector<128x128xf32>, vector<10000x128xf32> -> vector<10000x128xf32>
    %add3A_37 = arith.addf %mul3A_28, %dot_general3A_36 : vector<10000x128xf32>
    %get3A_38 = arith.constant 0 : index
    %get3A_39 = arith.constant 0 : index
    %get3A_40 = vector.load %arg4[%get3A_38, %get3A_39] : memref<1x128xf32, #tpu.memory_space<vmem>>, vector<1x128xf32>
    %add3A_41 = vector.broadcast %get3A_40 : vector<1x128xf32> to vector<10000x128xf32>
    %add3A_42 = arith.addf %add3A_37, %add3A_41 : vector<10000x128xf32>
    %tanh3A = math.tanh %add3A_42 : vector<10000x128xf32>
    %swap3A = arith.constant 0 : index
    %swap3A_43 = arith.constant 0 : index
    %swap3A_44 = vector.load %arg7[%swap3A, %swap3A_43] : memref<10000x128xf32, #tpu.memory_space<vmem>>, vector<10000x128xf32>
    tpu.vector_store %arg7[%swap3A, %swap3A_43], %tanh3A {strides = array<i32>} : memref<10000x128xf32, #tpu.memory_space<vmem>>, vector<10000x128xf32>,
    %get3A_45 = arith.constant 0 : index
    %get3A_46 = arith.constant 0 : index
    %get3A_47 = vector.load %arg5[%get3A_45, %get3A_46] : memref<200x128xf32, #tpu.memory_space<vmem>>, vector<200x128xf32>
    %get3A_48 = arith.constant 0 : index
    %get3A_49 = arith.constant 0 : index
    %get3A_50 = vector.load %arg6[%get3A_48, %get3A_49] : memref<128x128xf32, #tpu.memory_space<vmem>>, vector<128x128xf32>
    %dot_general3A_51 = arith.constant dense<0.000000e+00> : vector<200x128xf32>
    %dot_general3A_52 = tpu.matmul %get3A_47, %get3A_50, %dot_general3A_51 {dimension_numbers = #tpu.dot_dimension_numbers<[1], [0], [0], [1], [0, 0, 1, 1], [], []>, transpose_lhs_hint = false} : vector<200x128xf32>, vector<128x128xf32>, vector<200x128xf32> -> vector<200x128xf32>
    %swap3A_53 = arith.constant 0 : index
    %swap3A_54 = arith.constant 0 : index
    %swap3A_55 = vector.load %arg8[%swap3A_53, %swap3A_54] : memref<200x128xf32, #tpu.memory_space<vmem>>, vector<200x128xf32>
    tpu.vector_store %arg8[%swap3A_53, %swap3A_54], %dot_general3A_52 {strides = array<i32>} : memref<200x128xf32, #tpu.memory_space<vmem>>, vector<200x128xf32>,
    return
  }
}

</mosaic_0001>

<sc_bundles>
// kernel: kernel.5.cloned.1.call-start
scs
__scs_entry_jumppad:
0x0: {  	(pc) =	sbr.rel $0x88, $3  }
0x1: {  	(tag) =	ssettag $0x0;
	lr =	simm.s32 $0x1  }
0x2: {  	[smem:$0x3F97] =	sst lr;
	_ =	strace $0xD0000000  }
0x3: {  	_ = 	snop  }
0x4: {  	_ = 	snop  }
0x5: {  	_ = 	snop  }
0x6: {  	_ = 	snop  }
0x7: {  	_ = 	snop  }
__scs_overlays_trampoline_lowered:
0x8: {  	[smem:$0x3FA6] =	sst s0  }
0x9: {  	[smem:$0x3FA7] =	sst s1  }
0xa: {  	[smem:$0x3FA8] =	sst s2  }
0xb: {  	[smem:$0x3FA9] =	sst s3  }
0xc: {  	[smem:$0x3FAA] =	sst s4  }
0xd: {  	[smem:$0x3FAB] =	sst s5  }
0xe: {  	[smem:$0x3FAC] =	sst s6  }
0xf: {  	[smem:$0x3FAD] =	sst s7  }
0x10: {  	[smem:$0x3FAE] =	sst s8  }
0x11: {  	[smem:$0x3FAF] =	sst s9;
	s0 =	simm.s32 @!p0 $0x0  }
0x12: {  	s1 =	sld [smem:$0x3F95];
	s0 =	simm.s32 @p0 $0x1  }
0x13: {  	[smem:$0x3FB0] =	sst s0;
	s0 =	simm.s32 @!p1 $0x0  }
0x14: {  	s2 =	sld [smem:$0x3F94];
	s0 =	simm.s32 @p1 $0x1  }
0x15: {  	[smem:$0x3FB1] =	sst s0;
	s0 =	simm.s32 @!p2 $0x0  }
0x16: {  	s3 =	sld [smem:$0x3FDB];
	s0 =	simm.s32 @p2 $0x1  }
0x17: {  	s4 =	simm.s32 $0x1BF5;
	[smem:$0x3FB3] =	sst s0  }
0x18: {  	s0 =	sld [smem:$0x3F96];
	_ =	swait.ge [sflag:s4], $0x0  }
0x19: {  	s7 =	sld [smem:$0x3F97]  }
0x1a: {  	s8 =	sadd.s32 $0xFFFFE003, lr  }
0x1b: {  	s9 =	sadd.s32 $0xFFFFFEF7, lr;
	s5 =	simm.s32 $0xFFFFFFFF;
	p2 =	slt.u32 s8, $0xFFFFF086  }
0x1c: {  	p1 =	slt.u32 s9, $0xF7A;
	s5 =	simm.s32 @!p2 $0x0  }
0x1d: {  	s5 =	simm.s32 @p1 $0x1;
	p0 =	seq.s32 s7, s2  }
0x1e: {  	s7 =	smul.u32 @!p0 $0xF7A, s2;
	p2 =	seq.s32 @!p0 s5, $0x0  }
0x1f: {  	s9 =	smul.u32 $0xF7A, s1;
	s8 =	simm.s32 @!p0 $0x1BF5;
	p2 =	por !p2, p0  }
0x20: {  	[sflag:s8] =	ssyncset.s32 @!p0 $0xFFFFF086;
	s6 =	sadd.s32 @!p0 s3, s7;
	s7 =	simm.s32 @!p0 $0x108  }
0x21: {  	s3 =	sadd.s32 s3, s9;
	s6 =	sadd.s32 @!p0 $0x88, s6;
	s7 =	simm.s32 @p2 $0x1082  }
0x22: {  	[simem:s7], [sflag:s8] =	dma.local @!p0 [hbm:s6], $0xF7A  }
0x23: {  	s9 =	sor.u32 $0xD0000000, s2;
	s6 =	simm.s32 $0x108;
	_ =	swait.ge @!p0 [sflag:s8], $0x0  }
0x24: {  	s3 =	sadd.s32 $0x88, s3;
	s6 =	simm.s32 @!p1 $0x1082;
	[sflag:s4] =	ssyncset.s32 $0xFFFFF086  }
0x25: {  	[simem:s6], [sflag:s4] =	dma.local [hbm:s3], $0xF7A  }
0x26: {  	[smem:$0x3F97] =	sst s1;
	(tag) =	ssettag s2;
	_ =	strace s9  }
0x27: {  	s1 =	sld [smem:$0x3FA7]  }
0x28: {  	s2 =	sld [smem:$0x3FA8]  }
0x29: {  	s4 =	sld [smem:$0x3FAA]  }
0x2a: {  	p0 =	seq.s32 s5, $0x0;
	s5 =	sld [smem:$0x3FAB]  }
0x2b: {  	s6 =	sld [smem:$0x3FAC]  }
0x2c: {  	s7 =	sld [smem:$0x3FAD]  }
0x2d: {  	s3 =	simm.s32 $0x108;
	s8 =	sld [smem:$0x3FAE]  }
0x2e: {  	s3 =	simm.s32 @!p0 $0x1082;
	s9 =	sld [smem:$0x3FAF]  }
0x2f: {  	lr =	sadd.s32 s0, s3;
	s0 =	sld [smem:$0x3FA6]  }
0x30: {  	s3 =	sld [smem:$0x3FA9]  }
0x31: {  	[smem:$0x3FB2] =	sst s10  }
0x32: {  	s10 =	sld [smem:$0x3FB0];
	_ =	sdelay $0x3  }
0x33: {  	p0 =	seq.s32 s10, $0x1;
	s10 =	sld [smem:$0x3FB2];
	_ =	sdelay $0x3  }
0x34: {  	[smem:$0x3FB2] =	sst s10  }
0x35: {  	s10 =	sld [smem:$0x3FB1];
	_ =	sdelay $0x3  }
0x36: {  	p1 =	seq.s32 s10, $0x1;
	s10 =	sld [smem:$0x3FB2];
	_ =	sdelay $0x3  }
0x37: {  	[smem:$0x3FB2] =	sst s10  }
0x38: {  	s10 =	sld [smem:$0x3FB3]  }
0x39: {  	_ = 	snop;
	(pc) =	sbr.ind lr, $3  }
0x3a: {  	_ = 	snop  }
0x3b: {  	_ = 	snop  }
0x3c: {  	p2 =	seq.s32 s10, $0x1;
	s10 =	sld [smem:$0x3FB2]  }
0x3d: {  	_ =	shalt  }
0x3e: {  	_ =	shalt  }
0x3f: {  	_ =	shalt  }
0x40: {  	_ =	shalt  }
0x41: {  	_ =	shalt  }
0x42: {  	_ =	shalt  }
0x43: {  	_ =	shalt  }
0x44: {  	_ =	shalt  }
0x45: {  	_ =	shalt  }
0x46: {  	_ =	shalt  }
0x47: {  	_ =	shalt  }
0x48: {  	_ =	shalt  }
0x49: {  	_ =	shalt  }
0x4a: {  	_ =	shalt  }
0x4b: {  	_ =	shalt  }
0x4c: {  	_ =	shalt  }
0x4d: {  	_ =	shalt  }
0x4e: {  	_ =	shalt  }
0x4f: {  	_ =	shalt  }
0x50: {  	_ =	shalt  }
0x51: {  	_ =	shalt  }
0x52: {  	_ =	shalt  }
0x53: {  	_ =	shalt  }
0x54: {  	_ =	shalt  }
0x55: {  	_ =	shalt  }
0x56: {  	_ =	shalt  }
0x57: {  	_ =	shalt  }
0x58: {  	_ =	shalt  }
0x59: {  	_ =	shalt  }
0x5a: {  	_ =	shalt  }
0x5b: {  	_ =	shalt  }
0x5c: {  	_ =	shalt  }
0x5d: {  	_ =	shalt  }
0x5e: {  	_ =	shalt  }
0x5f: {  	_ =	shalt  }
0x60: {  	_ =	shalt  }
0x61: {  	_ =	shalt  }
0x62: {  	_ =	shalt  }
0x63: {  	_ =	shalt  }
0x64: {  	_ =	shalt  }
0x65: {  	_ =	shalt  }
0x66: {  	_ =	shalt  }
0x67: {  	_ =	shalt  }
0x68: {  	_ =	shalt  }
0x69: {  	_ =	shalt  }
0x6a: {  	_ =	shalt  }
0x6b: {  	_ =	shalt  }
0x6c: {  	_ =	shalt  }
0x6d: {  	_ =	shalt  }
0x6e: {  	_ =	shalt  }
0x6f: {  	_ =	shalt  }
0x70: {  	_ =	shalt  }
0x71: {  	_ =	shalt  }
0x72: {  	_ =	shalt  }
0x73: {  	_ =	shalt  }
0x74: {  	_ =	shalt  }
0x75: {  	_ =	shalt  }
0x76: {  	_ =	shalt  }
0x77: {  	_ =	shalt  }
0x78: {  	_ =	shalt  }
0x79: {  	_ =	shalt  }
0x7a: {  	_ =	shalt  }
0x7b: {  	_ =	shalt  }
0x7c: {  	_ =	shalt  }
0x7d: {  	_ =	shalt  }
0x7e: {  	_ =	shalt  }
0x7f: {  	_ =	shalt  }
0x80: {  	_ =	shalt  }
0x81: {  	_ =	shalt  }
0x82: {  	_ =	shalt  }
0x83: {  	_ =	shalt  }
0x84: {  	_ =	shalt  }
0x85: {  	_ =	shalt  }
0x86: {  	_ =	shalt  }
0x87: {  	_ =	shalt  }
.Lfunc_end0:
.L_simem_size_0:
called_computation_lowered:
.L_overlay_start_0:
0x88: {  	s2 =	sld [smem:$0x3FD9]  }
0x89: {  	s3 =	sld [smem:$0x3FFE];
	_ =	sdelay $0x1  }
0x8a: {  	s1 =	srdreg.scid  }
0x8b: {  	s0 =	sand.u32 $0x1, s1  }
0x8c: {  	s14 =	sshll.u32 s0, $0xA;
	s2 =	sadd.s32 s3, s2  }
0x8d: {  	s2 =	sadd.s32 s2, s14  }
0x8e: {  	[smem:$0x3FBE] =	sst s2  }
0x8f: {  	_ = 	snop  }
0x90: {  	s2 =	sld [smem:$0x3FD0];
	_ =	sdelay $0x2  }
0x91: {  	s15 =	simm.s32 $0xA;
	s4 =	simm.s32 $0x10  }
0x92: {  	[smem:s4], [sflag:s15] =	dma.local [hbm:s2], $0x1  }
0x93: {  	_ =	swait.eq [sflag:s15], $0x1  }
0x94: {  	s16 =	sld [smem:$0x10];
	[sflag:s15] =	ssyncset.done $0x0  }
0x95: {  	s17 =	sld [smem:$0x11];
	[sflag:s15] =	ssyncadd.s32 $0xFFFFFFFF  }
0x96: {  	s18 =	sld [smem:$0x12];
	(tm) =	ssettm $0x1  }
0x97: {  	s5 =	sld [smem:$0x3FFB];
	_ =	sdelay $0x3  }
0x98: {  	_ =	strace s5  }
0x99: {  	s5 =	sld [smem:$0x3FFC];
	_ =	sdelay $0x3  }
0x9a: {  	_ =	strace s5  }
0x9b: {  	s5 =	sld [smem:$0x3FFD];
	_ =	sdelay $0x3  }
0x9c: {  	_ =	strace s5  }
0x9d: {  	_ =	strace $0x8FFFFFFF  }
0x9e: {  	s19 =	sld [smem:$0x3FDB];
	_ =	sdelay $0x1  }
0x9f: {  	s6 =	simm.s32 $_scs_section_size  }
0xa0: {  	s7 =	simm.s32 $_size__tile_overlayer_lowered;
	s8 =	simm.s32 $_tile_overlayer_lowered  }
0xa1: {  	s22 =	simm.s32 $0x1BFF;
	s21 =	sshll.u32 s8, $0x1;
	s5 =	sadd.s32 s6, s19  }
0xa2: {  	s9 =	simm.s32 $0x0;
	s20 =	sshll.u32 s7, $0x1;
	s7 =	sadd.s32 s21, s5  }
0xa3: {  	[timem:s9], [sflag:s22] =	dma.local [hbm:s7], s20  }
0xa4: {  	_ =	swait.ge [sflag:s22], s20  }
0xa5: {  	s6 =	ssub.s32 $0x0, s20;
	[sflag:s22] =	ssyncset.done $0x0  }
0xa6: {  	[sflag:s22] =	ssyncadd.s32 s6;
	_ =	sdelay $0x1  }
0xa7: {  	s23 =	simm.s32 $0x1B8B  }
0xa8: {  	_ =	swait.ge [sflag:s23], $0x1  }
0xa9: {  	[sflag:s23] =	ssyncset.done $0x0  }
0xaa: {  	s25 =	simm.s32 $0x1B8E;
	s24 =	sld [smem:$0x3FFE];
	[sflag:s23] =	ssyncadd.s32 $0xFFFFFFFF  }
0xab: {  	s26 =	simm.s32 $execute0_lowered;
	[smem:$0x3FD2] =	sst s25  }
0xac: {  	s7 =	sshll.u32 s26, $0x1;
	_ =	strace $0x80000046;
	[dreg:$0x1] =	wrdreg $0xFFFFFFFF  }
0xad: {  	s28 =	simm.s32 $_size_execute0_lowered;
	s5 =	sadd.s32 s5, s7;
	[dreg:$0x0] =	wrdreg $0x0  }
0xae: {  	s7 =	sshll.u32 s28, $0x1;
	[dreg:$0x2] =	wrdreg s5  }
0xaf: {  	[dreg:$0x3] =	wrdreg s7  }
0xb0: {  	[dreg:$0x4] =	wrdreg $0xC0  }
0xb1: {  	_ =	task [dreg:s9], $0x5FFFF  }
0xb2: {  	[dreg:$0x1] =	wrdreg $0xFFFFFFFF  }
0xb3: {  	[dreg:$0x0] =	wrdreg $0x60  }
0xb4: {  	[dreg:$0x2] =	wrdreg s24  }
0xb5: {  	[dreg:$0x3] =	wrdreg s16  }
0xb6: {  	[dreg:$0x4] =	wrdreg s18  }
0xb7: {  	[dreg:$0x5] =	wrdreg s17  }
0xb8: {  	[dreg:$0x6] =	wrdreg $0x88E00  }
0xb9: {  	[dreg:$0x7] =	wrdreg $0x1F0E00  }
0xba: {  	[dreg:$0x8] =	wrdreg $0x9  }
0xbb: {  	_ =	task.clear_ibuf [dreg:s9], $0x9FFFF;
	_ =	strace $0x90000046  }
0xbc: {  	s29 =	simm.s32 $0x9;
	_ =	strace $0x80000048  }
0xbd: {  	_ =	swait.ge [sflag:s29], $0x1  }
0xbe: {  	[sflag:s29] =	ssyncadd.s32 $0xFFFFFFFF  }
0xbf: {  	_ =	strace $0x90000048  }
0xc0: {  	_ =	sfence  }
0xc1: {  	s30 =	sld [smem:$0x0];
	_ =	sdelay $0x2  }
0xc2: {  	s31 =	sshll.u32 s1, $0xD;
	s1 =	sshrl.u32 s1, $0x2  }
0xc3: {  	s3 =	sand.u32 $0x4000, s31;
	s1 =	sadd.s32 s1, s30  }
0xc4: {  	s0 =	sor.u32 s3, s0;
	s1 =	sshll.u32 s1, $0x11  }
0xc5: {  	s0 =	sor.u32 s1, s0  }
0xc6: {  	s0 =	sadd.s32 $0x8F2B, s0  }
0xc7: {  	[sflag:s0] =	ssyncadd.remote.s32 $0x1  }
0xc8: {  	_ =	sfence.sel $0xFFFF  }
0xc9: {  	[dreg:$0x0] =	wrdreg $0xFFFFFFFF;
	(pc) =	sbr.abs _section_cstart, $3  }
0xca: {  	[dreg:$0x1] =	wrdreg $0xFFFFFFFF  }
0xcb: {  	_ =	task.clear_ibuf [dreg:s9], $0x2FFFF;
	_ =	strace $0x9FFFFFFF  }
0xcc: {  	(tm) =	ssettm $0x7FFFFFFF  }
0xcd: {  	_ =	shalt  }
tec
execute0_lowered:
.L_overlay_start_1:
0x0: {  	(tag) =	ssettag $0x1  }
0x1: {  	s7 =	rddreg [dreg:$0x0]  }
0x2: {  	s1 =	rddreg [dreg:$0x1]  }
0x3: {  	s10 =	rddreg [dreg:$0x2]  }
0x4: {  	s2 =	rddreg [dreg:$0x3]  }
0x5: {  	s3 =	rddreg [dreg:$0x4]  }
0x6: {  	s4 =	rddreg [dreg:$0x5]  }
0x7: {  	s0 =	rddreg [dreg:$0x6]  }
0x8: {  	s6 =	srdreg.scid;
	s11 =	stileid.u32  }
0x9: {  	s5 =	simm.s32 $0x0;
	s31 =	simm.s32 $0xC30;
	s16 =	simm.s32 $0x1  }
0xa: {  	s17 =	simm.s32 $0x1860;
	s18 =	simm.s32 $0x2;
	s19 =	simm.s32 $0x3  }
0xb: {  	s20 =	simm.s32 $0x4;
	s21 =	simm.s32 $0x5;
	s22 =	simm.s32 $0x6  }
0xc: {  	s23 =	simm.s32 $0x0;
	s6 =	sand.u32 $0x1, s6;
	s8 =	smul.u32 $0x16800, s11  }
0xd: {  	[smem:$0x7FF] =	sst s5;
	s15 =	smul.u32 $0x79E0, s11;
	s30 =	sshll.u32 s11, $0x6  }
0xe: {  	p0 =	sne.s32 s11, $0x0;
	s9 =	smul.u32 $0x168000, s6;
	_ =	strace $0x80000047  }
0xf: {  	s12 =	ssub.s32 $0x2, s6;
	s13 =	smul.u32 $0x79E00, s6;
	s6 =	sadd.s32 $0x2000, s7  }
0x10: {  	[dreg:$0x7] =	wrdreg s31;
	s14 =	sshrl.u32 s12, $0x1;
	s29 =	sadd.s32 s8, s3  }
0x11: {  	s9 =	sadd.s32 s8, s9;
	s12 =	ssub.s32 s12, s14;
	s13 =	sadd.s32 s15, s13  }
0x12: {  	s11 =	sshrl.u32 s29, $0x3;
	s14 =	simm.s32 $0x64;
	s9 =	sshrl.u32 s9, $0x3  }
0x13: {  	s15 =	simm.s32 $0x50A0;
	s13 =	sshrl.u32 s13, $0x3;
	s9 =	sadd.s32 s9, s7  }
0x14: {  	s7 =	sor.u32 $0x1C07, s30;
	s10 =	sadd.s32 s13, s10;
	s13 =	sshrl.u32 @!p0 s4, $0x3  }
0x15: {  	s8 =	sadd.s32 $0x2E000, s9;
	s9 =	smax.u32 s12, $0x1;
	s12 =	simm.s32 $0x7  }
.LBB2_1:
0x16: {  	[spmem:s11], [sflag:s7] =	dma.local [hbm:s2], $0x2D00  }
0x17: {  	_ =	swait.ge [sflag:s12], $0x2D00  }
0x18: {  	[sflag:s12] =	ssyncset.done $0x0  }
0x19: {  	s24 =	simm.s32 @!p0 $0x7;
	[sflag:s12] =	ssyncadd.s32 $0xFFFFD300  }
0x1a: {  	[spmem:s13], [sflag:s7] =	dma.local @!p0 [hbm:s1], $0xE10  }
0x1b: {  	_ =	swait.ge @!p0 [sflag:s24], $0xE10  }
0x1c: {  	[sflag:s24] =	ssyncset.done @!p0 $0x0  }
0x1d: {  	[sflag:s24] =	ssyncadd.s32 @!p0 $0xFFFFF1F0  }
0x1e: {  	s25 =	sand.u32 $0x1, s5;
	[bflag:$0x0] =	sbarrier.arrive $0xFFFF  }
0x1f: {  	p1 =	seq.s32 s25, $0x1;
	s24 =	rddreg [dreg:$0x7]  }
0x20: {  	s24 =	simm.s32 @!p1 $0x0  }
0x21: {  	[tilespmem:s24], [sflag:$0x7] =	stream.linear.gather [hbm4b:s10+s5], $0xC30, $0x38;
	[tilespmem:$0x1F7E8] =	vst v63  }
0x22: {  	_ =	swait.ge [sflag:s12], $0xC30  }
0x23: {  	p1 =	por $0x0, $0x0;
	[sflag:s12] =	ssyncset.done $0x0  }
0x24: {  	s25 =	simm.s32 @p1 $0x5;
	[sflag:s12] =	ssyncadd.s32 $0xFFFFF3D0  }
0x25: {  	_ =	swait.ge @p1 [sflag:s25], $0x3840  }
0x26: {  	s26 =	simm.s32 @p1 $0x6;
	[sflag:s25] =	ssyncset.done @p1 $0x0  }
0x27: {  	s28 =	simm.s32 @p1 $0x1860;
	[sflag:s25] =	ssyncadd.s32 @p1 $0xFFFFC7C0;
	s25 =	simm.s32 @p1 $0x64  }
0x28: {  	[tilespmem:s28], [sflag:$0x1] =	stream.indirect.gather @p1 [hbm4b:s6+s25], $0x90, s24, s25, $0xb8;
	[tilespmem:$0x1F7E8] =	vst v63  }
0x29: {  	_ =	swait.ge @p1 [sflag:s26], $0x3840  }
0x2a: {  	[sflag:s26] =	ssyncset.done @p1 $0x0  }
0x2b: {  	s25 =	simm.s32 @!p1 $0x64;
	[sflag:s26] =	ssyncadd.s32 @p1 $0xFFFFC7C0;
	s26 =	simm.s32 @!p1 $0x1860  }
0x2c: {  	[tilespmem:s26], [sflag:$0x1] =	stream.indirect.gather @!p1 [hbm4b:s6+s25], $0x90, s24, s25, $0xb8;
	[tilespmem:$0x1F7E8] =	vst v63  }
0x2d: {  	s29 =	sadd.s32 $0x138, s24  }
0x2e: {  	[tilespmem:s15], [sflag:$0x2] =	stream.indirect.gather [hbm4b:s6+s14], $0x90, s29, s14, $0xb8;
	[tilespmem:$0x1F7E8] =	vst v63  }
0x2f: {  	_ =	swait.ge [sflag:s16], $0x3840  }
0x30: {  	[sflag:s16] =	ssyncset.done $0x0  }
0x31: {  	s30 =	sadd.s32 $0xD0, s24;
	[sflag:s16] =	ssyncadd.s32 $0xFFFFC7C0  }
0x32: {  	[tilespmem:s17], [sflag:$0x3] =	stream.indirect.gather.add.f32 [spmem:s4], $0x90, s30, s14, $0xb8;
	[tilespmem:$0x1F7E8] =	vst v63  }
0x33: {  	_ =	swait.ge [sflag:s18], $0x3840  }
0x34: {  	[sflag:s18] =	ssyncset.done $0x0  }
0x35: {  	s31 =	sadd.s32 $0x208, s24;
	[sflag:s18] =	ssyncadd.s32 $0xFFFFC7C0  }
0x36: {  	[tilespmem:s15], [sflag:$0x4] =	stream.indirect.gather.add.f32 [spmem:s4], $0x90, s31, s14, $0xb8;
	[tilespmem:$0x1F7E8] =	vst v63  }
0x37: {  	_ =	swait.ge [sflag:s19], $0x3840  }
0x38: {  	[sflag:s19] =	ssyncset.done $0x0  }
0x39: {  	s26 =	sadd.s32 $0x68, s24;
	[sflag:s19] =	ssyncadd.s32 $0xFFFFC7C0  }
0x3a: {  	[spmem:s3] =	stream.indirect.scatter.add.f32 [tilespmem:s17], [sflag:$0x5], $0x90, s26, s14, $0xb8;
	[tilespmem:$0x1F7E8] =	vst v63  }
0x3b: {  	_ =	swait.ge [sflag:s20], $0x3840  }
0x3c: {  	[sflag:s20] =	ssyncset.done $0x0  }
0x3d: {  	s28 =	sadd.s32 $0x1A0, s24;
	[sflag:s20] =	ssyncadd.s32 $0xFFFFC7C0  }
0x3e: {  	[spmem:s3] =	stream.indirect.scatter.add.f32 [tilespmem:s15], [sflag:$0x6], $0x90, s28, s14, $0xb8;
	[tilespmem:$0x1F7E8] =	vst v63  }
0x3f: {  	_ =	swait.ge [sflag:s21], $0x3840  }
0x40: {  	[sflag:s21] =	ssyncset.done $0x0  }
0x41: {  	s29 =	sadd.s32 $0x270, s24;
	[sflag:s21] =	ssyncadd.s32 $0xFFFFC7C0  }
0x42: {  	[tilespmem:s17], [sflag:$0x1] =	stream.indirect.gather [hbm4b:s6+s14], $0x90, s29, s14, $0xb8;
	[tilespmem:$0x1F7E8] =	vst v63  }
0x43: {  	_ =	swait.ge [sflag:s22], $0x3840  }
0x44: {  	[sflag:s22] =	ssyncset.done $0x0  }
0x45: {  	s30 =	sadd.s32 $0x3A8, s24;
	[sflag:s22] =	ssyncadd.s32 $0xFFFFC7C0  }
0x46: {  	[tilespmem:s15], [sflag:$0x2] =	stream.indirect.gather [hbm4b:s6+s14], $0x90, s30, s14, $0xb8;
	[tilespmem:$0x1F7E8] =	vst v63  }
0x47: {  	_ =	swait.ge [sflag:s16], $0x3840  }
0x48: {  	[sflag:s16] =	ssyncset.done $0x0  }
0x49: {  	s31 =	sadd.s32 $0x340, s24;
	[sflag:s16] =	ssyncadd.s32 $0xFFFFC7C0  }
0x4a: {  	[tilespmem:s17], [sflag:$0x3] =	stream.indirect.gather.add.f32 [spmem:s4], $0x90, s31, s14, $0xb8;
	[tilespmem:$0x1F7E8] =	vst v63  }
0x4b: {  	_ =	swait.ge [sflag:s18], $0x3840  }
0x4c: {  	[sflag:s18] =	ssyncset.done $0x0  }
0x4d: {  	s26 =	sadd.s32 $0x478, s24;
	[sflag:s18] =	ssyncadd.s32 $0xFFFFC7C0  }
0x4e: {  	[tilespmem:s15], [sflag:$0x4] =	stream.indirect.gather.add.f32 [spmem:s4], $0x90, s26, s14, $0xb8;
	[tilespmem:$0x1F7E8] =	vst v63  }
0x4f: {  	_ =	swait.ge [sflag:s19], $0x3840  }
0x50: {  	[sflag:s19] =	ssyncset.done $0x0  }
0x51: {  	s28 =	sadd.s32 $0x2D8, s24;
	[sflag:s19] =	ssyncadd.s32 $0xFFFFC7C0  }
0x52: {  	[spmem:s3] =	stream.indirect.scatter.add.f32 [tilespmem:s17], [sflag:$0x5], $0x90, s28, s14, $0xb8;
	[tilespmem:$0x1F7E8] =	vst v63  }
0x53: {  	_ =	swait.ge [sflag:s20], $0x3840  }
0x54: {  	[sflag:s20] =	ssyncset.done $0x0  }
0x55: {  	s29 =	sadd.s32 $0x410, s24;
	[sflag:s20] =	ssyncadd.s32 $0xFFFFC7C0  }
0x56: {  	[spmem:s3] =	stream.indirect.scatter.add.f32 [tilespmem:s15], [sflag:$0x6], $0x90, s29, s14, $0xb8;
	[tilespmem:$0x1F7E8] =	vst v63  }
0x57: {  	_ =	swait.ge [sflag:s21], $0x3840  }
0x58: {  	[sflag:s21] =	ssyncset.done $0x0  }
0x59: {  	s30 =	sadd.s32 $0x4E0, s24;
	[sflag:s21] =	ssyncadd.s32 $0xFFFFC7C0  }
0x5a: {  	[tilespmem:s17], [sflag:$0x1] =	stream.indirect.gather [hbm4b:s6+s14], $0x90, s30, s14, $0xb8;
	[tilespmem:$0x1F7E8] =	vst v63  }
0x5b: {  	_ =	swait.ge [sflag:s22], $0x3840  }
0x5c: {  	[sflag:s22] =	ssyncset.done $0x0  }
0x5d: {  	s31 =	sadd.s32 $0x618, s24;
	[sflag:s22] =	ssyncadd.s32 $0xFFFFC7C0  }
0x5e: {  	[tilespmem:s15], [sflag:$0x2] =	stream.indirect.gather [hbm4b:s6+s14], $0x90, s31, s14, $0xb8;
	[tilespmem:$0x1F7E8] =	vst v63  }
0x5f: {  	_ =	swait.ge [sflag:s16], $0x3840  }
0x60: {  	[sflag:s16] =	ssyncset.done $0x0  }
0x61: {  	s26 =	sadd.s32 $0x5B0, s24;
	[sflag:s16] =	ssyncadd.s32 $0xFFFFC7C0  }
0x62: {  	[tilespmem:s17], [sflag:$0x3] =	stream.indirect.gather.add.f32 [spmem:s4], $0x90, s26, s14, $0xb8;
	[tilespmem:$0x1F7E8] =	vst v63  }
0x63: {  	_ =	swait.ge [sflag:s18], $0x3840  }
0x64: {  	[sflag:s18] =	ssyncset.done $0x0  }
0x65: {  	s28 =	sadd.s32 $0x6E8, s24;
	[sflag:s18] =	ssyncadd.s32 $0xFFFFC7C0  }
0x66: {  	[tilespmem:s15], [sflag:$0x4] =	stream.indirect.gather.add.f32 [spmem:s4], $0x90, s28, s14, $0xb8;
	[tilespmem:$0x1F7E8] =	vst v63  }
0x67: {  	_ =	swait.ge [sflag:s19], $0x3840  }
0x68: {  	[sflag:s19] =	ssyncset.done $0x0  }
0x69: {  	s29 =	sadd.s32 $0x548, s24;
	[sflag:s19] =	ssyncadd.s32 $0xFFFFC7C0  }
0x6a: {  	[spmem:s3] =	stream.indirect.scatter.add.f32 [tilespmem:s17], [sflag:$0x5], $0x90, s29, s14, $0xb8;
	[tilespmem:$0x1F7E8] =	vst v63  }
0x6b: {  	_ =	swait.ge [sflag:s20], $0x3840  }
0x6c: {  	[sflag:s20] =	ssyncset.done $0x0  }
0x6d: {  	s30 =	sadd.s32 $0x680, s24;
	[sflag:s20] =	ssyncadd.s32 $0xFFFFC7C0  }
0x6e: {  	[spmem:s3] =	stream.indirect.scatter.add.f32 [tilespmem:s15], [sflag:$0x6], $0x90, s30, s14, $0xb8;
	[tilespmem:$0x1F7E8] =	vst v63  }
0x6f: {  	_ =	swait.ge [sflag:s21], $0x3840  }
0x70: {  	[sflag:s21] =	ssyncset.done $0x0  }
0x71: {  	s31 =	sadd.s32 $0x750, s24;
	[sflag:s21] =	ssyncadd.s32 $0xFFFFC7C0  }
0x72: {  	[tilespmem:s17], [sflag:$0x1] =	stream.indirect.gather [hbm4b:s6+s14], $0x90, s31, s14, $0xb8;
	[tilespmem:$0x1F7E8] =	vst v63  }
0x73: {  	_ =	swait.ge [sflag:s22], $0x3840  }
0x74: {  	[sflag:s22] =	ssyncset.done $0x0  }
0x75: {  	s26 =	sadd.s32 $0x888, s24;
	[sflag:s22] =	ssyncadd.s32 $0xFFFFC7C0  }
0x76: {  	[tilespmem:s15], [sflag:$0x2] =	stream.indirect.gather [hbm4b:s6+s14], $0x90, s26, s14, $0xb8;
	[tilespmem:$0x1F7E8] =	vst v63  }
0x77: {  	_ =	swait.ge [sflag:s16], $0x3840  }
0x78: {  	[sflag:s16] =	ssyncset.done $0x0  }
0x79: {  	s28 =	sadd.s32 $0x820, s24;
	[sflag:s16] =	ssyncadd.s32 $0xFFFFC7C0  }
0x7a: {  	[tilespmem:s17], [sflag:$0x3] =	stream.indirect.gather.add.f32 [spmem:s4], $0x90, s28, s14, $0xb8;
	[tilespmem:$0x1F7E8] =	vst v63  }
0x7b: {  	_ =	swait.ge [sflag:s18], $0x3840  }
0x7c: {  	[sflag:s18] =	ssyncset.done $0x0  }
0x7d: {  	s29 =	sadd.s32 $0x958, s24;
	[sflag:s18] =	ssyncadd.s32 $0xFFFFC7C0  }
0x7e: {  	[tilespmem:s15], [sflag:$0x4] =	stream.indirect.gather.add.f32 [spmem:s4], $0x90, s29, s14, $0xb8;
	[tilespmem:$0x1F7E8] =	vst v63  }
0x7f: {  	_ =	swait.ge [sflag:s19], $0x3840  }
0x80: {  	[sflag:s19] =	ssyncset.done $0x0  }
0x81: {  	s30 =	sadd.s32 $0x7B8, s24;
	[sflag:s19] =	ssyncadd.s32 $0xFFFFC7C0  }
0x82: {  	[spmem:s3] =	stream.indirect.scatter.add.f32 [tilespmem:s17], [sflag:$0x5], $0x90, s30, s14, $0xb8;
	[tilespmem:$0x1F7E8] =	vst v63  }
0x83: {  	_ =	swait.ge [sflag:s20], $0x3840  }
0x84: {  	[sflag:s20] =	ssyncset.done $0x0  }
0x85: {  	s31 =	sadd.s32 $0x8F0, s24;
	[sflag:s20] =	ssyncadd.s32 $0xFFFFC7C0  }
0x86: {  	[spmem:s3] =	stream.indirect.scatter.add.f32 [tilespmem:s15], [sflag:$0x6], $0x90, s31, s14, $0xb8;
	[tilespmem:$0x1F7E8] =	vst v63  }
0x87: {  	_ =	swait.ge [sflag:s21], $0x3840  }
0x88: {  	[sflag:s21] =	ssyncset.done $0x0  }
0x89: {  	s26 =	sadd.s32 $0x9C0, s24;
	[sflag:s21] =	ssyncadd.s32 $0xFFFFC7C0  }
0x8a: {  	[tilespmem:s17], [sflag:$0x1] =	stream.indirect.gather [hbm4b:s6+s14], $0x90, s26, s14, $0xb8;
	[tilespmem:$0x1F7E8] =	vst v63  }
0x8b: {  	_ =	swait.ge [sflag:s22], $0x3840  }
0x8c: {  	[sflag:s22] =	ssyncset.done $0x0  }
0x8d: {  	s28 =	sadd.s32 $0xAF8, s24;
	[sflag:s22] =	ssyncadd.s32 $0xFFFFC7C0  }
0x8e: {  	[tilespmem:s15], [sflag:$0x2] =	stream.indirect.gather [hbm4b:s6+s14], $0x90, s28, s14, $0xb8;
	[tilespmem:$0x1F7E8] =	vst v63  }
0x8f: {  	_ =	swait.ge [sflag:s16], $0x3840  }
0x90: {  	[sflag:s16] =	ssyncset.done $0x0  }
0x91: {  	s29 =	sadd.s32 $0xA90, s24;
	[sflag:s16] =	ssyncadd.s32 $0xFFFFC7C0  }
0x92: {  	[tilespmem:s17], [sflag:$0x3] =	stream.indirect.gather.add.f32 [spmem:s4], $0x90, s29, s14, $0xb8;
	[tilespmem:$0x1F7E8] =	vst v63  }
0x93: {  	_ =	swait.ge [sflag:s18], $0x3840  }
0x94: {  	[sflag:s18] =	ssyncset.done $0x0  }
0x95: {  	s30 =	sadd.s32 $0xBC8, s24;
	[sflag:s18] =	ssyncadd.s32 $0xFFFFC7C0  }
0x96: {  	[tilespmem:s15], [sflag:$0x4] =	stream.indirect.gather.add.f32 [spmem:s4], $0x90, s30, s14, $0xb8;
	[tilespmem:$0x1F7E8] =	vst v63  }
0x97: {  	_ =	swait.ge [sflag:s19], $0x3840  }
0x98: {  	[sflag:s19] =	ssyncset.done $0x0  }
0x99: {  	s31 =	sadd.s32 $0xA28, s24;
	[sflag:s19] =	ssyncadd.s32 $0xFFFFC7C0  }
0x9a: {  	[spmem:s3] =	stream.indirect.scatter.add.f32 [tilespmem:s17], [sflag:$0x5], $0x90, s31, s14, $0xb8;
	[tilespmem:$0x1F7E8] =	vst v63  }
0x9b: {  	s25 =	simm.s32 $0x1;
	s26 =	smov.u32 s10;
	_ =	swait.ge [sflag:s20], $0x3840  }
.LBB2_2:
0x9c: {  	s28 =	sand.u32 $0x1, s25;
	[sflag:s20] =	ssyncset.done $0x0  }
0x9d: {  	s29 =	rddreg [dreg:$0x7];
	s24 =	sadd.s32 $0xB60, s24;
	[sflag:s20] =	ssyncadd.s32 $0xFFFFC7C0  }
0x9e: {  	[spmem:s3] =	stream.indirect.scatter.add.f32 [tilespmem:s15], [sflag:$0x6], $0x90, s24, s14, $0xb8;
	[tilespmem:$0x1F7E8] =	vst v63  }
0x9f: {  	p1 =	seq.s32 s28, $0x1;
	s24 =	smov.u32 s29  }
0xa0: {  	s26 =	sadd.s32 $0x186, s26;
	s24 =	simm.s32 @!p1 $0x0  }
0xa1: {  	[tilespmem:s24], [sflag:$0x7] =	stream.linear.gather [hbm4b:s26+s5], $0xC30, $0x38;
	[tilespmem:$0x1F7E8] =	vst v63  }
0xa2: {  	s30 =	smov.u32 s25;
	_ =	swait.ge [sflag:s12], $0xC30  }
0xa3: {  	p2 =	sne.s32 s30, $0x0;
	[sflag:s12] =	ssyncset.done $0x0  }
0xa4: {  	s28 =	simm.s32 @p2 $0x5;
	[sflag:s12] =	ssyncadd.s32 $0xFFFFF3D0  }
0xa5: {  	_ =	swait.ge @p2 [sflag:s28], $0x3840  }
0xa6: {  	s29 =	simm.s32 @p2 $0x6;
	[sflag:s28] =	ssyncset.done @p2 $0x0  }
0xa7: {  	s30 =	simm.s32 @p2 $0x1860;
	[sflag:s28] =	ssyncadd.s32 @p2 $0xFFFFC7C0;
	s28 =	simm.s32 @p2 $0x64  }
0xa8: {  	[tilespmem:s30], [sflag:$0x1] =	stream.indirect.gather @p2 [hbm4b:s6+s28], $0x90, s24, s28, $0xb8;
	[tilespmem:$0x1F7E8] =	vst v63  }
0xa9: {  	_ =	swait.ge @p2 [sflag:s29], $0x3840  }
0xaa: {  	[sflag:s29] =	ssyncset.done @p2 $0x0  }
0xab: {  	s28 =	simm.s32 @!p2 $0x64;
	[sflag:s29] =	ssyncadd.s32 @p2 $0xFFFFC7C0;
	s29 =	simm.s32 @!p2 $0x1860  }
0xac: {  	[tilespmem:s29], [sflag:$0x1] =	stream.indirect.gather @!p2 [hbm4b:s6+s28], $0x90, s24, s28, $0xb8;
	[tilespmem:$0x1F7E8] =	vst v63  }
0xad: {  	s31 =	sadd.s32 $0x138, s24  }
0xae: {  	[tilespmem:s15], [sflag:$0x2] =	stream.indirect.gather [hbm4b:s6+s14], $0x90, s31, s14, $0xb8;
	[tilespmem:$0x1F7E8] =	vst v63  }
0xaf: {  	_ =	swait.ge [sflag:s16], $0x3840  }
0xb0: {  	[sflag:s16] =	ssyncset.done $0x0  }
0xb1: {  	s29 =	sadd.s32 $0xD0, s24;
	[sflag:s16] =	ssyncadd.s32 $0xFFFFC7C0  }
0xb2: {  	[tilespmem:s17], [sflag:$0x3] =	stream.indirect.gather.add.f32 [spmem:s4], $0x90, s29, s14, $0xb8;
	[tilespmem:$0x1F7E8] =	vst v63  }
0xb3: {  	_ =	swait.ge [sflag:s18], $0x3840  }
0xb4: {  	[sflag:s18] =	ssyncset.done $0x0  }
0xb5: {  	s30 =	sadd.s32 $0x208, s24;
	[sflag:s18] =	ssyncadd.s32 $0xFFFFC7C0  }
0xb6: {  	[tilespmem:s15], [sflag:$0x4] =	stream.indirect.gather.add.f32 [spmem:s4], $0x90, s30, s14, $0xb8;
	[tilespmem:$0x1F7E8] =	vst v63  }
0xb7: {  	_ =	swait.ge [sflag:s19], $0x3840  }
0xb8: {  	[sflag:s19] =	ssyncset.done $0x0  }
0xb9: {  	s31 =	sadd.s32 $0x68, s24;
	[sflag:s19] =	ssyncadd.s32 $0xFFFFC7C0  }
0xba: {  	[spmem:s3] =	stream.indirect.scatter.add.f32 [tilespmem:s17], [sflag:$0x5], $0x90, s31, s14, $0xb8;
	[tilespmem:$0x1F7E8] =	vst v63  }
0xbb: {  	_ =	swait.ge [sflag:s20], $0x3840  }
0xbc: {  	[sflag:s20] =	ssyncset.done $0x0  }
0xbd: {  	s29 =	sadd.s32 $0x1A0, s24;
	[sflag:s20] =	ssyncadd.s32 $0xFFFFC7C0  }
0xbe: {  	[spmem:s3] =	stream.indirect.scatter.add.f32 [tilespmem:s15], [sflag:$0x6], $0x90, s29, s14, $0xb8;
	[tilespmem:$0x1F7E8] =	vst v63  }
0xbf: {  	_ =	swait.ge [sflag:s21], $0x3840  }
0xc0: {  	[sflag:s21] =	ssyncset.done $0x0  }
0xc1: {  	s30 =	sadd.s32 $0x270, s24;
	[sflag:s21] =	ssyncadd.s32 $0xFFFFC7C0  }
0xc2: {  	[tilespmem:s17], [sflag:$0x1] =	stream.indirect.gather [hbm4b:s6+s14], $0x90, s30, s14, $0xb8;
	[tilespmem:$0x1F7E8] =	vst v63  }
0xc3: {  	_ =	swait.ge [sflag:s22], $0x3840  }
0xc4: {  	[sflag:s22] =	ssyncset.done $0x0  }
0xc5: {  	s31 =	sadd.s32 $0x3A8, s24;
	[sflag:s22] =	ssyncadd.s32 $0xFFFFC7C0  }
0xc6: {  	[tilespmem:s15], [sflag:$0x2] =	stream.indirect.gather [hbm4b:s6+s14], $0x90, s31, s14, $0xb8;
	[tilespmem:$0x1F7E8] =	vst v63  }
0xc7: {  	_ =	swait.ge [sflag:s16], $0x3840  }
0xc8: {  	[sflag:s16] =	ssyncset.done $0x0  }
0xc9: {  	s29 =	sadd.s32 $0x340, s24;
	[sflag:s16] =	ssyncadd.s32 $0xFFFFC7C0  }
0xca: {  	[tilespmem:s17], [sflag:$0x3] =	stream.indirect.gather.add.f32 [spmem:s4], $0x90, s29, s14, $0xb8;
	[tilespmem:$0x1F7E8] =	vst v63  }
0xcb: {  	_ =	swait.ge [sflag:s18], $0x3840  }
0xcc: {  	[sflag:s18] =	ssyncset.done $0x0  }
0xcd: {  	s30 =	sadd.s32 $0x478, s24;
	[sflag:s18] =	ssyncadd.s32 $0xFFFFC7C0  }
0xce: {  	[tilespmem:s15], [sflag:$0x4] =	stream.indirect.gather.add.f32 [spmem:s4], $0x90, s30, s14, $0xb8;
	[tilespmem:$0x1F7E8] =	vst v63  }
0xcf: {  	_ =	swait.ge [sflag:s19], $0x3840  }
0xd0: {  	[sflag:s19] =	ssyncset.done $0x0  }
0xd1: {  	s31 =	sadd.s32 $0x2D8, s24;
	[sflag:s19] =	ssyncadd.s32 $0xFFFFC7C0  }
0xd2: {  	[spmem:s3] =	stream.indirect.scatter.add.f32 [tilespmem:s17], [sflag:$0x5], $0x90, s31, s14, $0xb8;
	[tilespmem:$0x1F7E8] =	vst v63  }
0xd3: {  	_ =	swait.ge [sflag:s20], $0x3840  }
0xd4: {  	[sflag:s20] =	ssyncset.done $0x0  }
0xd5: {  	s29 =	sadd.s32 $0x410, s24;
	[sflag:s20] =	ssyncadd.s32 $0xFFFFC7C0  }
0xd6: {  	[spmem:s3] =	stream.indirect.scatter.add.f32 [tilespmem:s15], [sflag:$0x6], $0x90, s29, s14, $0xb8;
	[tilespmem:$0x1F7E8] =	vst v63  }
0xd7: {  	_ =	swait.ge [sflag:s21], $0x3840  }
0xd8: {  	[sflag:s21] =	ssyncset.done $0x0  }
0xd9: {  	s30 =	sadd.s32 $0x4E0, s24;
	[sflag:s21] =	ssyncadd.s32 $0xFFFFC7C0  }
0xda: {  	[tilespmem:s17], [sflag:$0x1] =	stream.indirect.gather [hbm4b:s6+s14], $0x90, s30, s14, $0xb8;
	[tilespmem:$0x1F7E8] =	vst v63  }
0xdb: {  	_ =	swait.ge [sflag:s22], $0x3840  }
0xdc: {  	[sflag:s22] =	ssyncset.done $0x0  }
0xdd: {  	s31 =	sadd.s32 $0x618, s24;
	[sflag:s22] =	ssyncadd.s32 $0xFFFFC7C0  }
0xde: {  	[tilespmem:s15], [sflag:$0x2] =	stream.indirect.gather [hbm4b:s6+s14], $0x90, s31, s14, $0xb8;
	[tilespmem:$0x1F7E8] =	vst v63  }
0xdf: {  	_ =	swait.ge [sflag:s16], $0x3840  }
0xe0: {  	[sflag:s16] =	ssyncset.done $0x0  }
0xe1: {  	s29 =	sadd.s32 $0x5B0, s24;
	[sflag:s16] =	ssyncadd.s32 $0xFFFFC7C0  }
0xe2: {  	[tilespmem:s17], [sflag:$0x3] =	stream.indirect.gather.add.f32 [spmem:s4], $0x90, s29, s14, $0xb8;
	[tilespmem:$0x1F7E8] =	vst v63  }
0xe3: {  	_ =	swait.ge [sflag:s18], $0x3840  }
0xe4: {  	[sflag:s18] =	ssyncset.done $0x0  }
0xe5: {  	s30 =	sadd.s32 $0x6E8, s24;
	[sflag:s18] =	ssyncadd.s32 $0xFFFFC7C0  }
0xe6: {  	[tilespmem:s15], [sflag:$0x4] =	stream.indirect.gather.add.f32 [spmem:s4], $0x90, s30, s14, $0xb8;
	[tilespmem:$0x1F7E8] =	vst v63  }
0xe7: {  	_ =	swait.ge [sflag:s19], $0x3840  }
0xe8: {  	[sflag:s19] =	ssyncset.done $0x0  }
0xe9: {  	s31 =	sadd.s32 $0x548, s24;
	[sflag:s19] =	ssyncadd.s32 $0xFFFFC7C0  }
0xea: {  	[spmem:s3] =	stream.indirect.scatter.add.f32 [tilespmem:s17], [sflag:$0x5], $0x90, s31, s14, $0xb8;
	[tilespmem:$0x1F7E8] =	vst v63  }
0xeb: {  	_ =	swait.ge [sflag:s20], $0x3840  }
0xec: {  	[sflag:s20] =	ssyncset.done $0x0  }
0xed: {  	s29 =	sadd.s32 $0x680, s24;
	[sflag:s20] =	ssyncadd.s32 $0xFFFFC7C0  }
0xee: {  	[spmem:s3] =	stream.indirect.scatter.add.f32 [tilespmem:s15], [sflag:$0x6], $0x90, s29, s14, $0xb8;
	[tilespmem:$0x1F7E8] =	vst v63  }
0xef: {  	_ =	swait.ge [sflag:s21], $0x3840  }
0xf0: {  	[sflag:s21] =	ssyncset.done $0x0  }
0xf1: {  	s30 =	sadd.s32 $0x750, s24;
	[sflag:s21] =	ssyncadd.s32 $0xFFFFC7C0  }
0xf2: {  	[tilespmem:s17], [sflag:$0x1] =	stream.indirect.gather [hbm4b:s6+s14], $0x90, s30, s14, $0xb8;
	[tilespmem:$0x1F7E8] =	vst v63  }
0xf3: {  	_ =	swait.ge [sflag:s22], $0x3840  }
0xf4: {  	[sflag:s22] =	ssyncset.done $0x0  }
0xf5: {  	s31 =	sadd.s32 $0x888, s24;
	[sflag:s22] =	ssyncadd.s32 $0xFFFFC7C0  }
0xf6: {  	[tilespmem:s15], [sflag:$0x2] =	stream.indirect.gather [hbm4b:s6+s14], $0x90, s31, s14, $0xb8;
	[tilespmem:$0x1F7E8] =	vst v63  }
0xf7: {  	_ =	swait.ge [sflag:s16], $0x3840  }
0xf8: {  	[sflag:s16] =	ssyncset.done $0x0  }
0xf9: {  	s29 =	sadd.s32 $0x820, s24;
	[sflag:s16] =	ssyncadd.s32 $0xFFFFC7C0  }
0xfa: {  	[tilespmem:s17], [sflag:$0x3] =	stream.indirect.gather.add.f32 [spmem:s4], $0x90, s29, s14, $0xb8;
	[tilespmem:$0x1F7E8] =	vst v63  }
0xfb: {  	_ =	swait.ge [sflag:s18], $0x3840  }
0xfc: {  	[sflag:s18] =	ssyncset.done $0x0  }
0xfd: {  	s30 =	sadd.s32 $0x958, s24;
	[sflag:s18] =	ssyncadd.s32 $0xFFFFC7C0  }
0xfe: {  	[tilespmem:s15], [sflag:$0x4] =	stream.indirect.gather.add.f32 [spmem:s4], $0x90, s30, s14, $0xb8;
	[tilespmem:$0x1F7E8] =	vst v63  }
0xff: {  	_ =	swait.ge [sflag:s19], $0x3840  }
0x100: {  	[sflag:s19] =	ssyncset.done $0x0  }
0x101: {  	s31 =	sadd.s32 $0x7B8, s24;
	[sflag:s19] =	ssyncadd.s32 $0xFFFFC7C0  }
0x102: {  	[spmem:s3] =	stream.indirect.scatter.add.f32 [tilespmem:s17], [sflag:$0x5], $0x90, s31, s14, $0xb8;
	[tilespmem:$0x1F7E8] =	vst v63  }
0x103: {  	_ =	swait.ge [sflag:s20], $0x3840  }
0x104: {  	[sflag:s20] =	ssyncset.done $0x0  }
0x105: {  	s29 =	sadd.s32 $0x8F0, s24;
	[sflag:s20] =	ssyncadd.s32 $0xFFFFC7C0  }
0x106: {  	[spmem:s3] =	stream.indirect.scatter.add.f32 [tilespmem:s15], [sflag:$0x6], $0x90, s29, s14, $0xb8;
	[tilespmem:$0x1F7E8] =	vst v63  }
0x107: {  	_ =	swait.ge [sflag:s21], $0x3840  }
0x108: {  	[sflag:s21] =	ssyncset.done $0x0  }
0x109: {  	s30 =	sadd.s32 $0x9C0, s24;
	[sflag:s21] =	ssyncadd.s32 $0xFFFFC7C0  }
0x10a: {  	[tilespmem:s17], [sflag:$0x1] =	stream.indirect.gather [hbm4b:s6+s14], $0x90, s30, s14, $0xb8;
	[tilespmem:$0x1F7E8] =	vst v63  }
0x10b: {  	_ =	swait.ge [sflag:s22], $0x3840  }
0x10c: {  	[sflag:s22] =	ssyncset.done $0x0  }
0x10d: {  	s31 =	sadd.s32 $0xAF8, s24;
	[sflag:s22] =	ssyncadd.s32 $0xFFFFC7C0  }
0x10e: {  	[tilespmem:s15], [sflag:$0x2] =	stream.indirect.gather [hbm4b:s6+s14], $0x90, s31, s14, $0xb8;
	[tilespmem:$0x1F7E8] =	vst v63  }
0x10f: {  	_ =	swait.ge [sflag:s16], $0x3840  }
0x110: {  	[sflag:s16] =	ssyncset.done $0x0  }
0x111: {  	s29 =	sadd.s32 $0xA90, s24;
	[sflag:s16] =	ssyncadd.s32 $0xFFFFC7C0  }
0x112: {  	[tilespmem:s17], [sflag:$0x3] =	stream.indirect.gather.add.f32 [spmem:s4], $0x90, s29, s14, $0xb8;
	[tilespmem:$0x1F7E8] =	vst v63  }
0x113: {  	_ =	swait.ge [sflag:s18], $0x3840  }
0x114: {  	s25 =	sadd.s32 $0x1, s25;
	[sflag:s18] =	ssyncset.done $0x0  }
0x115: {  	p1 =	sne.s32 s25, $0xA;
	s30 =	sadd.s32 $0xBC8, s24;
	[sflag:s18] =	ssyncadd.s32 $0xFFFFC7C0  }
0x116: {  	[tilespmem:s15], [sflag:$0x4] =	stream.indirect.gather.add.f32 [spmem:s4], $0x90, s30, s14, $0xb8;
	[tilespmem:$0x1F7E8] =	vst v63  }
.Ltmp0:
0x117: {  	_ =	swait.ge [sflag:s19], $0x3840;
	(pc) =	sbr.rel @p1 .LBB2_2-.Ltmp0, $4  }
0x118: {  	[sflag:s19] =	ssyncset.done $0x0  }
0x119: {  	s31 =	sadd.s32 $0xA28, s24;
	[sflag:s19] =	ssyncadd.s32 $0xFFFFC7C0  }
0x11a: {  	[spmem:s3] =	stream.indirect.scatter.add.f32 [tilespmem:s17], [sflag:$0x5], $0x90, s31, s14, $0xb8;
	[tilespmem:$0x1F7E8] =	vst v63  }
0x11b: {  	_ =	swait.ge [sflag:s20], $0x3840  }
0x11c: {  	[sflag:s20] =	ssyncset.done $0x0  }
0x11d: {  	s24 =	sadd.s32 $0xB60, s24;
	[sflag:s20] =	ssyncadd.s32 $0xFFFFC7C0  }
0x11e: {  	[spmem:s3] =	stream.indirect.scatter.add.f32 [tilespmem:s15], [sflag:$0x6], $0x90, s24, s14, $0xb8;
	[tilespmem:$0x1F7E8] =	vst v63  }
0x11f: {  	_ =	swait.ge [sflag:s21], $0x3840  }
0x120: {  	[sflag:s21] =	ssyncset.done $0x0  }
0x121: {  	[sflag:s21] =	ssyncadd.s32 $0xFFFFC7C0  }
0x122: {  	_ =	swait.ge [sflag:s22], $0x3840  }
0x123: {  	s23 =	sadd.s32 $0x1, s23;
	[sflag:s22] =	ssyncset.done $0x0  }
0x124: {  	p1 =	sne.s32 s23, s9;
	[sflag:s22] =	ssyncadd.s32 $0xFFFFC7C0  }
.Ltmp1:
0x125: {  	[bflag:$0x0] =	sbarrier.arrive $0xFFFF;
	(pc) =	sbr.rel @p1 .LBB2_1-.Ltmp1, $4  }
0x126: {  	[hbm:s8], [sflag:s7] =	dma.local [spmem:s11], $0x2D00  }
0x127: {  	_ =	swait.ge [sflag:s12], $0x2D00  }
0x128: {  	[sflag:s12] =	ssyncset.done $0x0  }
0x129: {  	[sflag:s12] =	ssyncadd.s32 $0xFFFFD300  }
0x12a: {  	_ =	sfence.sel $0x180000  }
0x12b: {  	[bflag:$0x0] =	sbarrier.arrive $0xFFFF  }
0x12c: {  	_ =	strace $0x90000047  }
0x12d: {  	s0 =	sadd.s32 @!p0 $0x100000, s0;
	[bflag:$0x2] =	sbarrier.arrive $0xFFFF  }
0x12e: {  	[sflag:s0] =	ssyncadd.tile.s32 @!p0 $0x1;
	_ =	shalt  }
.Lfunc_end2:
_tile_overlayer_lowered:
.L_overlay_start_2:
0x12f: {  	(tag) =	ssettag $0x2  }
0x130: {  	s0 =	rddreg [dreg:$0x0];
	s2 =	stileid.u32  }
0x131: {  	s1 =	rddreg [dreg:$0x1];
	p0 =	sne.s32 s2, $0x0  }
0x132: {  	s3 =	rddreg [dreg:$0x2];
	[bflag:$0x3] =	sbarrier.arrive $0xFFFF;
	s2 =	simm.s32 @!p0 $0x1C07  }
0x133: {  	[timem:s3], [sflag:s2] =	dma.local @!p0 [hbm:s0], s1  }
0x134: {  	s0 =	simm.s32 @!p0 $0x7  }
0x135: {  	_ =	swait.ge @!p0 [sflag:s0], s1  }
0x136: {  	s1 =	ssub.s32 @!p0 $0x0, s1;
	[sflag:s0] =	ssyncset.done @!p0 $0x0  }
0x137: {  	[sflag:s0] =	ssyncadd.s32 @!p0 s1  }
0x138: {  	[bflag:$0x3] =	sbarrier.arrive $0xFFFF  }
0x139: {  	_ =	shalt  }

// kernel: kernel.8.cloned.1.call-start
scs
__scs_entry_jumppad:
0x0: {  	(pc) =	sbr.rel $0x88, $3  }
0x1: {  	(tag) =	ssettag $0x0;
	lr =	simm.s32 $0x1  }
0x2: {  	[smem:$0x3F97] =	sst lr;
	_ =	strace $0xD0000000  }
0x3: {  	_ = 	snop  }
0x4: {  	_ = 	snop  }
0x5: {  	_ = 	snop  }
0x6: {  	_ = 	snop  }
0x7: {  	_ = 	snop  }
__scs_overlays_trampoline_lowered:
0x8: {  	[smem:$0x3FA6] =	sst s0  }
0x9: {  	[smem:$0x3FA7] =	sst s1  }
0xa: {  	[smem:$0x3FA8] =	sst s2  }
0xb: {  	[smem:$0x3FA9] =	sst s3  }
0xc: {  	[smem:$0x3FAA] =	sst s4  }
0xd: {  	[smem:$0x3FAB] =	sst s5  }
0xe: {  	[smem:$0x3FAC] =	sst s6  }
0xf: {  	[smem:$0x3FAD] =	sst s7  }
0x10: {  	[smem:$0x3FAE] =	sst s8  }
0x11: {  	[smem:$0x3FAF] =	sst s9;
	s0 =	simm.s32 @!p0 $0x0  }
0x12: {  	s1 =	sld [smem:$0x3F95];
	s0 =	simm.s32 @p0 $0x1  }
0x13: {  	[smem:$0x3FB0] =	sst s0;
	s0 =	simm.s32 @!p1 $0x0  }
0x14: {  	s2 =	sld [smem:$0x3F94];
	s0 =	simm.s32 @p1 $0x1  }
0x15: {  	[smem:$0x3FB1] =	sst s0;
	s0 =	simm.s32 @!p2 $0x0  }
0x16: {  	s3 =	sld [smem:$0x3FDB];
	s0 =	simm.s32 @p2 $0x1  }
0x17: {  	s4 =	simm.s32 $0x1BF5;
	[smem:$0x3FB3] =	sst s0  }
0x18: {  	s0 =	sld [smem:$0x3F96];
	_ =	swait.ge [sflag:s4], $0x0  }
0x19: {  	s7 =	sld [smem:$0x3F97]  }
0x1a: {  	s8 =	sadd.s32 $0xFFFFE003, lr  }
0x1b: {  	s9 =	sadd.s32 $0xFFFFFEF7, lr;
	s5 =	simm.s32 $0xFFFFFFFF;
	p2 =	slt.u32 s8, $0xFFFFF086  }
0x1c: {  	p1 =	slt.u32 s9, $0xF7A;
	s5 =	simm.s32 @!p2 $0x0  }
0x1d: {  	s5 =	simm.s32 @p1 $0x1;
	p0 =	seq.s32 s7, s2  }
0x1e: {  	s7 =	smul.u32 @!p0 $0xF7A, s2;
	p2 =	seq.s32 @!p0 s5, $0x0  }
0x1f: {  	s9 =	smul.u32 $0xF7A, s1;
	s8 =	simm.s32 @!p0 $0x1BF5;
	p2 =	por !p2, p0  }
0x20: {  	[sflag:s8] =	ssyncset.s32 @!p0 $0xFFFFF086;
	s6 =	sadd.s32 @!p0 s3, s7;
	s7 =	simm.s32 @!p0 $0x108  }
0x21: {  	s3 =	sadd.s32 s3, s9;
	s6 =	sadd.s32 @!p0 $0x88, s6;
	s7 =	simm.s32 @p2 $0x1082  }
0x22: {  	[simem:s7], [sflag:s8] =	dma.local @!p0 [hbm:s6], $0xF7A  }
0x23: {  	s9 =	sor.u32 $0xD0000000, s2;
	s6 =	simm.s32 $0x108;
	_ =	swait.ge @!p0 [sflag:s8], $0x0  }
0x24: {  	s3 =	sadd.s32 $0x88, s3;
	s6 =	simm.s32 @!p1 $0x1082;
	[sflag:s4] =	ssyncset.s32 $0xFFFFF086  }
0x25: {  	[simem:s6], [sflag:s4] =	dma.local [hbm:s3], $0xF7A  }
0x26: {  	[smem:$0x3F97] =	sst s1;
	(tag) =	ssettag s2;
	_ =	strace s9  }
0x27: {  	s1 =	sld [smem:$0x3FA7]  }
0x28: {  	s2 =	sld [smem:$0x3FA8]  }
0x29: {  	s4 =	sld [smem:$0x3FAA]  }
0x2a: {  	p0 =	seq.s32 s5, $0x0;
	s5 =	sld [smem:$0x3FAB]  }
0x2b: {  	s6 =	sld [smem:$0x3FAC]  }
0x2c: {  	s7 =	sld [smem:$0x3FAD]  }
0x2d: {  	s3 =	simm.s32 $0x108;
	s8 =	sld [smem:$0x3FAE]  }
0x2e: {  	s3 =	simm.s32 @!p0 $0x1082;
	s9 =	sld [smem:$0x3FAF]  }
0x2f: {  	lr =	sadd.s32 s0, s3;
	s0 =	sld [smem:$0x3FA6]  }
0x30: {  	s3 =	sld [smem:$0x3FA9]  }
0x31: {  	[smem:$0x3FB2] =	sst s10  }
0x32: {  	s10 =	sld [smem:$0x3FB0];
	_ =	sdelay $0x3  }
0x33: {  	p0 =	seq.s32 s10, $0x1;
	s10 =	sld [smem:$0x3FB2];
	_ =	sdelay $0x3  }
0x34: {  	[smem:$0x3FB2] =	sst s10  }
0x35: {  	s10 =	sld [smem:$0x3FB1];
	_ =	sdelay $0x3  }
0x36: {  	p1 =	seq.s32 s10, $0x1;
	s10 =	sld [smem:$0x3FB2];
	_ =	sdelay $0x3  }
0x37: {  	[smem:$0x3FB2] =	sst s10  }
0x38: {  	s10 =	sld [smem:$0x3FB3]  }
0x39: {  	_ = 	snop;
	(pc) =	sbr.ind lr, $3  }
0x3a: {  	_ = 	snop  }
0x3b: {  	_ = 	snop  }
0x3c: {  	p2 =	seq.s32 s10, $0x1;
	s10 =	sld [smem:$0x3FB2]  }
0x3d: {  	_ =	shalt  }
0x3e: {  	_ =	shalt  }
0x3f: {  	_ =	shalt  }
0x40: {  	_ =	shalt  }
0x41: {  	_ =	shalt  }
0x42: {  	_ =	shalt  }
0x43: {  	_ =	shalt  }
0x44: {  	_ =	shalt  }
0x45: {  	_ =	shalt  }
0x46: {  	_ =	shalt  }
0x47: {  	_ =	shalt  }
0x48: {  	_ =	shalt  }
0x49: {  	_ =	shalt  }
0x4a: {  	_ =	shalt  }
0x4b: {  	_ =	shalt  }
0x4c: {  	_ =	shalt  }
0x4d: {  	_ =	shalt  }
0x4e: {  	_ =	shalt  }
0x4f: {  	_ =	shalt  }
0x50: {  	_ =	shalt  }
0x51: {  	_ =	shalt  }
0x52: {  	_ =	shalt  }
0x53: {  	_ =	shalt  }
0x54: {  	_ =	shalt  }
0x55: {  	_ =	shalt  }
0x56: {  	_ =	shalt  }
0x57: {  	_ =	shalt  }
0x58: {  	_ =	shalt  }
0x59: {  	_ =	shalt  }
0x5a: {  	_ =	shalt  }
0x5b: {  	_ =	shalt  }
0x5c: {  	_ =	shalt  }
0x5d: {  	_ =	shalt  }
0x5e: {  	_ =	shalt  }
0x5f: {  	_ =	shalt  }
0x60: {  	_ =	shalt  }
0x61: {  	_ =	shalt  }
0x62: {  	_ =	shalt  }
0x63: {  	_ =	shalt  }
0x64: {  	_ =	shalt  }
0x65: {  	_ =	shalt  }
0x66: {  	_ =	shalt  }
0x67: {  	_ =	shalt  }
0x68: {  	_ =	shalt  }
0x69: {  	_ =	shalt  }
0x6a: {  	_ =	shalt  }
0x6b: {  	_ =	shalt  }
0x6c: {  	_ =	shalt  }
0x6d: {  	_ =	shalt  }
0x6e: {  	_ =	shalt  }
0x6f: {  	_ =	shalt  }
0x70: {  	_ =	shalt  }
0x71: {  	_ =	shalt  }
0x72: {  	_ =	shalt  }
0x73: {  	_ =	shalt  }
0x74: {  	_ =	shalt  }
0x75: {  	_ =	shalt  }
0x76: {  	_ =	shalt  }
0x77: {  	_ =	shalt  }
0x78: {  	_ =	shalt  }
0x79: {  	_ =	shalt  }
0x7a: {  	_ =	shalt  }
0x7b: {  	_ =	shalt  }
0x7c: {  	_ =	shalt  }
0x7d: {  	_ =	shalt  }
0x7e: {  	_ =	shalt  }
0x7f: {  	_ =	shalt  }
0x80: {  	_ =	shalt  }
0x81: {  	_ =	shalt  }
0x82: {  	_ =	shalt  }
0x83: {  	_ =	shalt  }
0x84: {  	_ =	shalt  }
0x85: {  	_ =	shalt  }
0x86: {  	_ =	shalt  }
0x87: {  	_ =	shalt  }
.Lfunc_end0:
.L_simem_size_0:
called_computation.1_lowered:
.L_overlay_start_0:
0x88: {  	s2 =	sld [smem:$0x3FD9]  }
0x89: {  	s3 =	sld [smem:$0x3FFE];
	_ =	sdelay $0x1  }
0x8a: {  	s1 =	srdreg.scid  }
0x8b: {  	s0 =	sand.u32 $0x1, s1  }
0x8c: {  	s14 =	sshll.u32 s0, $0xA;
	s2 =	sadd.s32 s3, s2  }
0x8d: {  	s2 =	sadd.s32 s2, s14  }
0x8e: {  	[smem:$0x3FBE] =	sst s2  }
0x8f: {  	_ = 	snop  }
0x90: {  	s2 =	sld [smem:$0x3FD0];
	_ =	sdelay $0x1  }
0x91: {  	s15 =	sld [smem:$0x3FC1]  }
0x92: {  	s5 =	simm.s32 $0xA;
	s6 =	simm.s32 $0x10;
	s4 =	sld [smem:$0x3FC0]  }
0x93: {  	[smem:s6], [sflag:s5] =	dma.local [hbm:s2], $0x1  }
0x94: {  	_ =	swait.eq [sflag:s5], $0x1  }
0x95: {  	s16 =	sld [smem:$0x10];
	[sflag:s5] =	ssyncset.done $0x0  }
0x96: {  	s17 =	sld [smem:$0x11];
	[sflag:s5] =	ssyncadd.s32 $0xFFFFFFFF  }
0x97: {  	s18 =	sld [smem:$0x12];
	(tm) =	ssettm $0x1  }
0x98: {  	s7 =	sld [smem:$0x3FFB];
	_ =	sdelay $0x3  }
0x99: {  	_ =	strace s7  }
0x9a: {  	s7 =	sld [smem:$0x3FFC];
	_ =	sdelay $0x3  }
0x9b: {  	_ =	strace s7  }
0x9c: {  	s7 =	sld [smem:$0x3FFD];
	_ =	sdelay $0x3  }
0x9d: {  	_ =	strace s7  }
0x9e: {  	_ =	strace $0x8FFFFFFF  }
0x9f: {  	s19 =	sld [smem:$0x3FDB];
	_ =	sdelay $0x1  }
0xa0: {  	s8 =	simm.s32 $_scs_section_size  }
0xa1: {  	s9 =	simm.s32 $_size__tile_overlayer_lowered;
	s10 =	simm.s32 $_tile_overlayer_lowered  }
0xa2: {  	s22 =	simm.s32 $0x1BFF;
	s21 =	sshll.u32 s10, $0x1;
	s7 =	sadd.s32 s8, s19  }
0xa3: {  	s11 =	simm.s32 $0x0;
	s20 =	sshll.u32 s9, $0x1;
	s9 =	sadd.s32 s21, s7  }
0xa4: {  	[timem:s11], [sflag:s22] =	dma.local [hbm:s9], s20  }
0xa5: {  	_ =	swait.ge [sflag:s22], s20  }
0xa6: {  	s8 =	ssub.s32 $0x0, s20;
	[sflag:s22] =	ssyncset.done $0x0  }
0xa7: {  	[sflag:s22] =	ssyncadd.s32 s8;
	_ =	sdelay $0x1  }
0xa8: {  	s23 =	simm.s32 $0x1B8B  }
0xa9: {  	_ =	swait.ge [sflag:s23], $0x1  }
0xaa: {  	[sflag:s23] =	ssyncset.done $0x0  }
0xab: {  	s25 =	simm.s32 $0x1B8E;
	s24 =	sld [smem:$0x3FFE];
	[sflag:s23] =	ssyncadd.s32 $0xFFFFFFFF  }
0xac: {  	s26 =	simm.s32 $execute0_lowered;
	[smem:$0x3FD2] =	sst s25  }
0xad: {  	s9 =	sshll.u32 s26, $0x1;
	_ =	strace $0x80000049;
	[dreg:$0x1] =	wrdreg $0xFFFFFFFF  }
0xae: {  	s28 =	simm.s32 $_size_execute0_lowered;
	s7 =	sadd.s32 s7, s9;
	[dreg:$0x0] =	wrdreg $0x0  }
0xaf: {  	s9 =	sshll.u32 s28, $0x1;
	[dreg:$0x2] =	wrdreg s7  }
0xb0: {  	[dreg:$0x3] =	wrdreg s9  }
0xb1: {  	[dreg:$0x4] =	wrdreg $0xC0  }
0xb2: {  	_ =	task [dreg:s11], $0x5FFFF  }
0xb3: {  	[dreg:$0x1] =	wrdreg $0xFFFFFFFF  }
0xb4: {  	[dreg:$0x0] =	wrdreg $0x60  }
0xb5: {  	[dreg:$0x2] =	wrdreg s18  }
0xb6: {  	[dreg:$0x3] =	wrdreg s24  }
0xb7: {  	[dreg:$0x4] =	wrdreg s15  }
0xb8: {  	[dreg:$0x5] =	wrdreg s4  }
0xb9: {  	[dreg:$0x6] =	wrdreg s16  }
0xba: {  	[dreg:$0x7] =	wrdreg s17  }
0xbb: {  	[dreg:$0x8] =	wrdreg $0x9  }
0xbc: {  	_ =	task.clear_ibuf [dreg:s11], $0x9FFFF;
	_ =	strace $0x90000049  }
0xbd: {  	s29 =	simm.s32 $0x9;
	_ =	strace $0x8000004B  }
0xbe: {  	_ =	swait.ge [sflag:s29], $0x1  }
0xbf: {  	[sflag:s29] =	ssyncadd.s32 $0xFFFFFFFF  }
0xc0: {  	_ =	strace $0x9000004B  }
0xc1: {  	_ =	sfence  }
0xc2: {  	s30 =	sld [smem:$0x0];
	_ =	sdelay $0x2  }
0xc3: {  	s31 =	sshll.u32 s1, $0xD;
	s1 =	sshrl.u32 s1, $0x2  }
0xc4: {  	s3 =	sand.u32 $0x4000, s31;
	s1 =	sadd.s32 s1, s30  }
0xc5: {  	s0 =	sor.u32 s3, s0;
	s1 =	sshll.u32 s1, $0x11  }
0xc6: {  	s0 =	sor.u32 s1, s0  }
0xc7: {  	s0 =	sadd.s32 $0x8F2B, s0  }
0xc8: {  	[sflag:s0] =	ssyncadd.remote.s32 $0x1  }
0xc9: {  	_ =	sfence.sel $0xFFFF  }
0xca: {  	[dreg:$0x0] =	wrdreg $0xFFFFFFFF;
	(pc) =	sbr.abs _section_cstart, $3  }
0xcb: {  	[dreg:$0x1] =	wrdreg $0xFFFFFFFF  }
0xcc: {  	_ =	task.clear_ibuf [dreg:s11], $0x2FFFF;
	_ =	strace $0x9FFFFFFF  }
0xcd: {  	(tm) =	ssettm $0x7FFFFFFF  }
tec
execute0_lowered:
.L_overlay_start_1:
0x0: {  	(tag) =	ssettag $0x1  }
0x1: {  	s0 =	rddreg [dreg:$0x0]  }
0x2: {  	s9 =	rddreg [dreg:$0x1]  }
0x3: {  	s4 =	rddreg [dreg:$0x2]  }
0x4: {  	s6 =	rddreg [dreg:$0x3];
	s2 =	srdreg.scid  }
0x5: {  	s13 =	rddreg [dreg:$0x4];
	s1 =	stileid.u32;
	s14 =	sand.u32 $0x1, s2  }
0x6: {  	s15 =	rddreg [dreg:$0x5];
	s7 =	sshll.u32 s1, $0x7;
	s5 =	sshll.u32 s14, $0xB  }
0x7: {  	s3 =	simm.s32 $0x0;
	s2 =	rddreg [dreg:$0x6];
	s16 =	sor.u32 s7, s5  }
0x8: {  	[smem:$0x7FF] =	sst s3;
	s7 =	sshrl.u32 s16, $0x3  }
0x9: {  	_ =	strace $0x8000004A;
	s5 =	sadd.s32 s4, s7;
	s4 =	simm.s32 $0x3  }
0xa: {  	[tilespmem:s3], [sflag:$0x3] =	stream.linear.gather [hbm4b:s5+s3], $0x80, $0x38;
	[tilespmem:$0x8100] =	vst v63  }
0xb: {  	_ =	swait.ge [sflag:s4], $0x80  }
0xc: {  	[sflag:s4] =	ssyncset.done $0x0  }
0xd: {  	s6 =	sadd.s32 s6, s7;
	s7 =	simm.s32 $0x80;
	[sflag:s4] =	ssyncadd.s32 $0xFFFFFF80  }
0xe: {  	[tilespmem:s7], [sflag:$0x3] =	stream.linear.gather [hbm4b:s6+s3], $0x80, $0x38;
	[tilespmem:$0x8100] =	vst v63  }
0xf: {  	_ =	swait.ge [sflag:s4], $0x80  }
0x10: {  	[sflag:s4] =	ssyncset.done $0x0  }
0x11: {  	s8 =	simm.s32 $0x100;
	[sflag:s4] =	ssyncadd.s32 $0xFFFFFF80  }
0x12: {  	[tilespmem:s8], [sflag:$0x1] =	stream.indirect.gather [hbm4b:s0+s7], $0x80, s3, s7, $0xb8;
	[tilespmem:$0x8100] =	vst v63  }
0x13: {  	s10 =	simm.s32 $0x4100;
	s11 =	simm.s32 $0x1;
	s9 =	sadd.s32 $0x2000, s9  }
0x14: {  	[tilespmem:s10], [sflag:$0x2] =	stream.indirect.gather [hbm4b:s9+s7], $0x80, s7, s7, $0xb8;
	[tilespmem:$0x8100] =	vst v63  }
0x15: {  	_ =	swait.ge [sflag:s11], $0x4000  }
0x16: {  	[sflag:s11] =	ssyncset.done $0x0  }
0x17: {  	s12 =	simm.s32 $0x2;
	s14 =	ssub.s32 $0x2, s14;
	[sflag:s11] =	ssyncadd.s32 $0xFFFFC000  }
0x18: {  	s17 =	sshrl.u32 s14, $0x1;
	_ =	swait.ge [sflag:s12], $0x4000  }
0x19: {  	s16 =	sshll.u32 s16, $0x4;
	s17 =	ssub.s32 s14, s17;
	[sflag:s12] =	ssyncset.done $0x0  }
0x1a: {  	s13 =	sadd.s32 s13, s16;
	s31 =	smax.u32 s17, $0x1;
	[sflag:s12] =	ssyncadd.s32 $0xFFFFC000  }
0x1b: {  	[hbm4b:s13+s3] =	stream.linear.scatter [tilespmem:s8], [sflag:$0x3], $0x4000, $0x38;
	[tilespmem:$0x8100] =	vst v63  }
0x1c: {  	p0 =	sne.s32 s31, $0x1;
	_ =	swait.ge [sflag:s4], $0x4000  }
.Ltmp0:
0x1d: {  	[sflag:s4] =	ssyncset.done $0x0;
	(pc) =	sbr.rel @!p0 .LBB2_2-.Ltmp0, $4  }
0x1e: {  	s14 =	sadd.s32 s15, s16;
	[sflag:s4] =	ssyncadd.s32 $0xFFFFC000  }
0x1f: {  	[hbm4b:s14+s3] =	stream.linear.scatter [tilespmem:s10], [sflag:$0x3], $0x4000, $0x38;
	[tilespmem:$0x8100] =	vst v63  }
0x20: {  	_ =	swait.ge [sflag:s4], $0x4000  }
0x21: {  	s15 =	sadd.s32 $0xFFFFFFFF, s31;
	[sflag:s4] =	ssyncset.done $0x0  }
.LBB2_1:
0x22: {  	p0 =	sne.s32 s15, $0x1;
	s15 =	sadd.s32 $0xFFFFFFFF, s15;
	[sflag:s4] =	ssyncadd.s32 $0xFFFFC000  }
0x23: {  	[tilespmem:s3], [sflag:$0x3] =	stream.linear.gather [hbm4b:s5+s3], $0x80, $0x38;
	[tilespmem:$0x8100] =	vst v63  }
0x24: {  	_ =	swait.ge [sflag:s4], $0x80  }
0x25: {  	[sflag:s4] =	ssyncset.done $0x0  }
0x26: {  	[sflag:s4] =	ssyncadd.s32 $0xFFFFFF80  }
0x27: {  	[tilespmem:s7], [sflag:$0x3] =	stream.linear.gather [hbm4b:s6+s3], $0x80, $0x38;
	[tilespmem:$0x8100] =	vst v63  }
0x28: {  	_ =	swait.ge [sflag:s4], $0x80  }
0x29: {  	[sflag:s4] =	ssyncset.done $0x0  }
0x2a: {  	[sflag:s4] =	ssyncadd.s32 $0xFFFFFF80  }
0x2b: {  	[tilespmem:s8], [sflag:$0x1] =	stream.indirect.gather [hbm4b:s0+s7], $0x80, s3, s7, $0xb8;
	[tilespmem:$0x8100] =	vst v63  }
0x2c: {  	_ = 	snop  }
0x2d: {  	[tilespmem:s10], [sflag:$0x2] =	stream.indirect.gather [hbm4b:s9+s7], $0x80, s7, s7, $0xb8;
	[tilespmem:$0x8100] =	vst v63  }
0x2e: {  	_ =	swait.ge [sflag:s11], $0x4000  }
0x2f: {  	[sflag:s11] =	ssyncset.done $0x0  }
0x30: {  	[sflag:s11] =	ssyncadd.s32 $0xFFFFC000  }
0x31: {  	_ =	swait.ge [sflag:s12], $0x4000  }
0x32: {  	[sflag:s12] =	ssyncset.done $0x0  }
0x33: {  	[sflag:s12] =	ssyncadd.s32 $0xFFFFC000  }
0x34: {  	[hbm4b:s13+s3] =	stream.linear.scatter [tilespmem:s8], [sflag:$0x3], $0x4000, $0x38;
	[tilespmem:$0x8100] =	vst v63  }
0x35: {  	_ =	swait.ge [sflag:s4], $0x4000  }
.Ltmp1:
0x36: {  	[sflag:s4] =	ssyncset.done $0x0;
	(pc) =	sbr.rel @p0 .LBB2_1-.Ltmp1, $4  }
0x37: {  	[sflag:s4] =	ssyncadd.s32 $0xFFFFC000  }
0x38: {  	[hbm4b:s14+s3] =	stream.linear.scatter [tilespmem:s10], [sflag:$0x3], $0x4000, $0x38;
	[tilespmem:$0x8100] =	vst v63  }
0x39: {  	_ =	swait.ge [sflag:s4], $0x4000  }
0x3a: {  	[sflag:s4] =	ssyncset.done $0x0  }
.LBB2_2:
0x3b: {  	[sflag:s4] =	ssyncadd.s32 $0xFFFFC000  }
0x3c: {  	_ =	sfence.sel $0x180000  }
0x3d: {  	[bflag:$0x0] =	sbarrier.arrive $0xFFFF  }
0x3e: {  	p0 =	sne.s32 s1, $0x0;
	_ =	strace $0x9000004A  }
0x3f: {  	s0 =	sadd.s32 @!p0 $0x100000, s2;
	[bflag:$0x2] =	sbarrier.arrive $0xFFFF  }
0x40: {  	[sflag:s0] =	ssyncadd.tile.s32 @!p0 $0x1;
	_ =	shalt  }
.Lfunc_end2:
_tile_overlayer_lowered:
.L_overlay_start_2:
0x41: {  	(tag) =	ssettag $0x2  }
0x42: {  	s0 =	rddreg [dreg:$0x0];
	s2 =	stileid.u32  }
0x43: {  	s1 =	rddreg [dreg:$0x1];
	p0 =	sne.s32 s2, $0x0  }
0x44: {  	s3 =	rddreg [dreg:$0x2];
	[bflag:$0x3] =	sbarrier.arrive $0xFFFF;
	s2 =	simm.s32 @!p0 $0x1C03  }
0x45: {  	[timem:s3], [sflag:s2] =	dma.local @!p0 [hbm:s0], s1  }
0x46: {  	s0 =	simm.s32 @!p0 $0x3  }
0x47: {  	_ =	swait.ge @!p0 [sflag:s0], s1  }
0x48: {  	s1 =	ssub.s32 @!p0 $0x0, s1;
	[sflag:s0] =	ssyncset.done @!p0 $0x0  }
0x49: {  	[sflag:s0] =	ssyncadd.s32 @!p0 s1  }
0x4a: {  	[bflag:$0x3] =	sbarrier.arrive $0xFFFF  }
0x4b: {  	_ =	shalt  }

</sc_bundles>
